<compile_context>
chip_gen: v7x
topology: tpu7x:2x2x1
jax: 0.10.2.dev20260603
libtpu: 0.0.44.dev20260713+nightly
codegen_flags: <defaults>
</compile_context>

<pallas_src>
import functools

import jax
import jax.numpy as jnp
from jax import lax
from jax.experimental import pallas as pl
from jax.experimental.pallas import tpu as pltpu
from jax.experimental.pallas import tpu_sc as plsc

B = 8192
PRED_DIM = 1024
PROTO_DIM = 256
NUM_PROTOS = 8192

BR = 1024
BC = 2048
NI = B // BR
NJ = NUM_PROTOS // BC
NSTRIP = BC // 64

_INV_SQRT2 = 0.7071067811865476


def _mlp_kernel(temp_ref, z_ref, w1_ref, b1_ref, w2_ref, b2_ref, proto_ref,
                recent_ref, support_ref,
                zn_ref, pn_ref, v_ref, scal_ref, vacc_ref):
    i = pl.program_id(0)
    inv_t = 1.0 / (jnp.abs(temp_ref[0, 0]) + 0.1)
    x = z_ref[...]
    h = jnp.dot(x, w1_ref[...], preferred_element_type=jnp.float32) + b1_ref[...]
    h = 0.5 * h * (1.0 + lax.erf(h * _INV_SQRT2))
    zp = jnp.dot(h, w2_ref[...], preferred_element_type=jnp.float32) + b2_ref[...]
    n = jnp.sqrt(jnp.sum(zp * zp, axis=1, keepdims=True))
    zn_ref[...] = zp / jnp.maximum(n, 1e-12)
    p = proto_ref[...]
    pnorm = jnp.sqrt(jnp.sum(p * p, axis=1, keepdims=True))
    pn = p / jnp.maximum(pnorm, 1e-12)
    pn_ref[...] = pn
    rec = recent_ref[...]
    t = jnp.sum(rec)
    rt = t + 1e-8
    rd = rec / rt
    rd_blk = recent_ref[0:1, pl.ds(i * BR, BR)] / rt
    vpart = lax.dot_general(pn, rd_blk, (((0,), (1,)), ((), ())),
                            preferred_element_type=jnp.float32)

    @pl.when(i == 0)
    def _():
        vacc_ref[...] = jnp.zeros(vacc_ref.shape, jnp.float32)

    vacc_ref[...] += vpart

    @pl.when(i == NI - 1)
    def _():
        v_ref[...] = vacc_ref[...]

    scal_ref[0, 0] = jnp.sum(rd * jnp.log(rd))
    scal_ref[0, 1] = t / rt
    scal_ref[0, 2] = inv_t
    scal_ref[0, 3] = jnp.max(support_ref[...]) + 1e-8


_mlp_call = pl.pallas_call(
    _mlp_kernel,
    grid=(NI,),
    in_specs=[
        pl.BlockSpec(memory_space=pltpu.SMEM),
        pl.BlockSpec((BR, PRED_DIM), lambda i: (i, 0)),
        pl.BlockSpec((PRED_DIM, 2 * PROTO_DIM), lambda i: (0, 0)),
        pl.BlockSpec((1, 2 * PROTO_DIM), lambda i: (0, 0)),
        pl.BlockSpec((2 * PROTO_DIM, PROTO_DIM), lambda i: (0, 0)),
        pl.BlockSpec((1, PROTO_DIM), lambda i: (0, 0)),
        pl.BlockSpec((BR, PROTO_DIM), lambda i: (i, 0)),
        pl.BlockSpec((1, NUM_PROTOS), lambda i: (0, 0)),
        pl.BlockSpec((1, NUM_PROTOS), lambda i: (0, 0)),
    ],
    out_specs=[
        pl.BlockSpec((BR, PROTO_DIM), lambda i: (i, 0)),
        pl.BlockSpec((BR, PROTO_DIM), lambda i: (i, 0)),
        pl.BlockSpec((PROTO_DIM, 1), lambda i: (0, 0)),
        pl.BlockSpec(memory_space=pltpu.SMEM),
    ],
    out_shape=[
        jax.ShapeDtypeStruct((B, PROTO_DIM), jnp.float32),
        jax.ShapeDtypeStruct((NUM_PROTOS, PROTO_DIM), jnp.float32),
        jax.ShapeDtypeStruct((PROTO_DIM, 1), jnp.float32),
        jax.ShapeDtypeStruct((1, 4), jnp.float32),
    ],
    scratch_shapes=[pltpu.VMEM((PROTO_DIM, 1), jnp.float32)],
)


def _sim_kernel(scal_ref, z_ref, p_ref, v_ref,
                sim_ref, bs_ref, bm_ref, dr_ref,
                m_ref, s_ref, am_ref, dot_ref):
    j = pl.program_id(1)
    inv_t = scal_ref[0, 2]
    sim = lax.dot_general(z_ref[...], p_ref[...], (((1,), (1,)), ((), ())),
                          preferred_element_type=jnp.float32) * inv_t
    sim_ref[...] = sim
    lm = jnp.max(sim, axis=1, keepdims=True)

    @pl.when(j == 0)
    def _():
        m_ref[...] = jnp.full(m_ref.shape, -1e30, jnp.float32)
        s_ref[...] = jnp.zeros(s_ref.shape, jnp.float32)
        am_ref[...] = jnp.zeros(am_ref.shape, jnp.int32)
        dot_ref[...] = lax.dot_general(z_ref[...], v_ref[...],
                                       (((1,), (0,)), ((), ())),
                                       preferred_element_type=jnp.float32) * inv_t

    e2 = jnp.exp(2.0 * sim)
    s_ref[...] += jnp.sum(e2, axis=1, keepdims=True)
    onehot = jnp.where(sim == lm, 1.0, 0.0)
    rows16 = lax.broadcasted_iota(jnp.int32, (BC, NSTRIP), 0)
    scol16 = lax.broadcasted_iota(jnp.int32, (BC, NSTRIP), 1)
    pw = lax.bitcast_convert_type((127 - (rows16 & 63)) << 23, jnp.float32)
    w_strip = jnp.where((rows16 >> 6) == scol16, pw, 0.0)
    red = lax.dot_general(onehot, w_strip, (((1,), (0,)), ((), ())),
                          preferred_element_type=jnp.float32)
    strip_idx = lax.broadcasted_iota(jnp.int32, (BR, NSTRIP), 1)
    strip_sel = jnp.min(jnp.where(red > 0.0, strip_idx, jnp.int32(NSTRIP)),
                        axis=1, keepdims=True)
    win = jnp.sum(jnp.where(strip_idx == strip_sel, red, 0.0),
                  axis=1, keepdims=True)
    ebits = lax.shift_right_logical(
        lax.bitcast_convert_type(win, jnp.int32), 23) & 255
    la = strip_sel * 64 + (127 - ebits) + j * BC
    m_old = m_ref[...]
    am_ref[...] = jnp.where(lm > m_old, la, am_ref[...])
    m_ref[...] = jnp.maximum(m_old, lm)

    @pl.when(j == NJ - 1)
    def _():
        bs_ref[...] = m_ref[...]
        bm_ref[...] = am_ref[...]
        lse = jnp.log(s_ref[...])
        dr_ref[...] = scal_ref[0, 0] - 2.0 * dot_ref[...] + scal_ref[0, 1] * lse


_sim_call = pl.pallas_call(
    _sim_kernel,
    grid=(NI, NJ),
    in_specs=[
        pl.BlockSpec(memory_space=pltpu.SMEM),
        pl.BlockSpec((BR, PROTO_DIM), lambda i, j: (i, 0)),
        pl.BlockSpec((BC, PROTO_DIM), lambda i, j: (j, 0)),
        pl.BlockSpec((PROTO_DIM, 1), lambda i, j: (0, 0)),
    ],
    out_specs=[
        pl.BlockSpec((BR, BC), lambda i, j: (i, j)),
        pl.BlockSpec((BR, 1), lambda i, j: (i, 0)),
        pl.BlockSpec((BR, 1), lambda i, j: (i, 0)),
        pl.BlockSpec((BR, 1), lambda i, j: (i, 0)),
    ],
    out_shape=[
        jax.ShapeDtypeStruct((B, NUM_PROTOS), jnp.float32),
        jax.ShapeDtypeStruct((B, 1), jnp.float32),
        jax.ShapeDtypeStruct((B, 1), jnp.int32),
        jax.ShapeDtypeStruct((B, 1), jnp.float32),
    ],
    scratch_shapes=[
        pltpu.VMEM((BR, 1), jnp.float32),
        pltpu.VMEM((BR, 1), jnp.float32),
        pltpu.VMEM((BR, 1), jnp.int32),
        pltpu.VMEM((BR, 1), jnp.float32),
    ],
)


_NC = 2
_NS = 16
_NL = 16
_NW = _NC * _NS
_RPW = B // _NW


@functools.cache
def _sc_epilogue_call():
    @functools.partial(
        pl.kernel,
        mesh=plsc.VectorSubcoreMesh(core_axis_name="c", subcore_axis_name="s",
                                    num_cores=_NC),
        out_type=(jax.ShapeDtypeStruct((B,), jnp.float32),
                  jax.ShapeDtypeStruct((B,), jnp.float32)),
        scratch_types=[
            pltpu.VMEM((_RPW,), jnp.int32),
            pltpu.VMEM((_RPW,), jnp.float32),
            pltpu.VMEM((_NL,), jnp.float32),
            pltpu.VMEM((_RPW,), jnp.float32),
            pltpu.VMEM((_RPW,), jnp.float32),
            pltpu.VMEM((_RPW,), jnp.float32),
            pltpu.VMEM((_RPW,), jnp.float32),
            pltpu.SemaphoreType.DMA,
            pltpu.SemaphoreType.DMA,
        ],
    )
    def _sc_epilogue(bs_hbm, bm_hbm, sup_hbm, qual_hbm, sv_hbm,
                     sd_hbm, fam_hbm,
                     idx_v, bs_v, sv_v, ms_v, mq_v, sd_v, fam_v,
                     sem0, sem1):
        wid = lax.axis_index("s") * _NC + lax.axis_index("c")
        base = wid * _RPW
        pltpu.sync_copy(bm_hbm.at[pl.ds(base, _RPW)], idx_v)
        pltpu.sync_copy(bs_hbm.at[pl.ds(base, _RPW)], bs_v)
        pltpu.sync_copy(sv_hbm, sv_v)
        cp0 = pltpu.async_copy(sup_hbm.at[idx_v], ms_v, sem0)
        cp1 = pltpu.async_copy(qual_hbm.at[idx_v], mq_v, sem1)
        cp0.wait()
        cp1.wait()
        maxsup = sv_v[...]
        for k in range(_RPW // _NL):
            sl = pl.ds(k * _NL, _NL)
            bs = bs_v[sl]
            ms = ms_v[sl]
            mq = mq_v[sl]
            sig = 1.0 / (1.0 + jnp.exp(-bs))
            sd = jnp.minimum(jnp.maximum(ms / maxsup * mq * sig, 0.1), 1.0)
            fam = (1.0 / (1.0 + jnp.exp(-(bs - 0.3) * 3.0))) * sd
            sd_v[sl] = sd
            fam_v[sl] = fam
        pltpu.sync_copy(sd_v, sd_hbm.at[pl.ds(base, _RPW)])
        pltpu.sync_copy(fam_v, fam_hbm.at[pl.ds(base, _RPW)])

    return _sc_epilogue


def kernel(z_pred, prototypes, W1, b1, W2, b2, support_counts,
           recent_assignments, prototype_quality, temperature):
    temp = jnp.asarray(temperature, jnp.float32).reshape(1, 1)
    zn, pn, v, scal = _mlp_call(
        temp, z_pred, W1, b1.reshape(1, -1), W2, b2.reshape(1, -1),
        prototypes, recent_assignments.reshape(1, -1),
        support_counts.reshape(1, -1))
    sim, bs, bm, dr = _sim_call(scal, zn, pn, v)
    bm_flat = bm.reshape(-1)
    sv = jnp.broadcast_to(scal[0, 3], (_NL,))
    sd, fam = _sc_epilogue_call()(bs.reshape(-1), bm_flat, support_counts,
                                  prototype_quality, sv)
    return (sim, sd, fam, dr.reshape(-1), bm_flat)

# --- scband reference (transcript-rebuilt; emitter-appended) ---
"""Pipeline reference for scband-prototype-bank-43576738185542 (READ-ONLY COPY).

The authoritative reference and input builder live on the scoring server;
editing this copy changes nothing except your own understanding.
"""

import jax, jax.numpy as jnp
import numpy as np

B = 8192
PRED_DIM = 1024
PROTO_DIM = 256
NUM_PROTOS = 8192


def _normalize(x, axis=-1, eps=1e-12):
    n = jnp.linalg.norm(x, axis=axis, keepdims=True)
    return x / jnp.clip(n, eps, None)


def setup_inputs(seed: int = 0) -> dict:
    key = jax.random.key(seed)
    ks = jax.random.split(key, 8)
    z_pred = jax.random.normal(ks[0], (B, PRED_DIM), dtype=jnp.float32)
    prototypes = jax.random.normal(ks[1], (NUM_PROTOS, PROTO_DIM), dtype=jnp.float32) * 0.1
    # proj = Linear(pred_dim, proto_dim*2) -> GELU -> Linear(proto_dim*2, proto_dim)
    W1 = jax.random.normal(ks[2], (PRED_DIM, PROTO_DIM * 2), dtype=jnp.float32) / np.sqrt(PRED_DIM)
    b1 = jnp.zeros((PROTO_DIM * 2,), dtype=jnp.float32)
    W2 = jax.random.normal(ks[3], (PROTO_DIM * 2, PROTO_DIM), dtype=jnp.float32) / np.sqrt(PROTO_DIM * 2)
    b2 = jnp.zeros((PROTO_DIM,), dtype=jnp.float32)
    support_counts = jnp.ones((NUM_PROTOS,), dtype=jnp.float32) * 50.0
    recent_assignments = jnp.ones((NUM_PROTOS,), dtype=jnp.float32) * 10.0
    prototype_quality = jnp.ones((NUM_PROTOS,), dtype=jnp.float32) * 0.7
    temperature = jnp.asarray(1.0, dtype=jnp.float32)
    return {"z_pred": z_pred, "prototypes": prototypes, "W1": W1, "b1": b1,
            "W2": W2, "b2": b2, "support_counts": support_counts,
            "recent_assignments": recent_assignments,
            "prototype_quality": prototype_quality, "temperature": temperature}


def reference(z_pred, prototypes, W1, b1, W2, b2, support_counts,
              recent_assignments, prototype_quality, temperature):
    h = jax.nn.gelu(z_pred @ W1 + b1, approximate=False)
    z_proto = h @ W2 + b2
    z_norm = _normalize(z_proto, axis=-1)
    proto_norm = _normalize(prototypes, axis=-1)
    similarity = (z_norm @ proto_norm.T) / (jnp.abs(temperature) + 0.1)
    soft_assign = jax.nn.softmax(similarity * 2.0, axis=-1)
    best_sim = jnp.max(similarity, axis=-1)
    best_match = jnp.argmax(similarity, axis=-1)
    matched_support = jnp.take(support_counts, best_match)
    max_possible_support = jnp.max(support_counts) + 1e-08
    matched_quality = jnp.take(prototype_quality, best_match)
    support_density = matched_support / max_possible_support * matched_quality * jax.nn.sigmoid(best_sim)
    support_density = jnp.clip(support_density, 0.1, 1.0)
    familiarity = jax.nn.sigmoid((best_sim - 0.3) * 3.0) * support_density
    recent_total = jnp.sum(recent_assignments) + 1e-08
    recent_dist = recent_assignments / recent_total
    # F.kl_div(input=log q, target=p, reduction='none') = p * (log p - log q)
    log_q = jnp.log(soft_assign)
    drift_score = jnp.sum(recent_dist[None, :] * (jnp.log(recent_dist)[None, :] - log_q), axis=-1)
    return (similarity, support_density, familiarity, drift_score, best_match)

if __name__ == "__main__":
    import jax
    _d = setup_inputs()
    print(jax.jit(kernel)(*tuple(_d.values())))

</pallas_src>

<mosaic_0001>
#map = affine_map<(d0, d1) -> (0)>
module attributes {stable_mosaic.version = 14 : i64} {
  func.func @_sc_epilogue(%arg0: i32, %arg1: i32, %arg2: memref<8192xf32, #tpu.memory_space<hbm>>, %arg3: memref<8192xi32, #tpu.memory_space<hbm>>, %arg4: memref<8192xf32, #tpu.memory_space<hbm>>, %arg5: memref<8192xf32, #tpu.memory_space<hbm>>, %arg6: memref<16xf32, #tpu.memory_space<hbm>>, %arg7: memref<8192xf32, #tpu.memory_space<hbm>>, %arg8: memref<8192xf32, #tpu.memory_space<hbm>>, %arg9: memref<256xi32, #tpu.memory_space<vmem>>, %arg10: memref<256xf32, #tpu.memory_space<vmem>>, %arg11: memref<16xf32, #tpu.memory_space<vmem>>, %arg12: memref<256xf32, #tpu.memory_space<vmem>>, %arg13: memref<256xf32, #tpu.memory_space<vmem>>, %arg14: memref<256xf32, #tpu.memory_space<vmem>>, %arg15: memref<256xf32, #tpu.memory_space<vmem>>, %arg16: memref<!tpu.dma_semaphore, #tpu.memory_space<semaphore_mem>>, %arg17: memref<!tpu.dma_semaphore, #tpu.memory_space<semaphore_mem>>) attributes {dimension_semantics = [#tpu.dimension_semantics<core_parallel>, #tpu.dimension_semantics<subcore_parallel>], iteration_bounds = array<i64: 2, 16>, scalar_prefetch = 0 : i64, scratch_operands = 9 : i64, tpu.core_type = #tpu.core_type<sc_vector_subcore>, window_params = [{transform_indices = #map}, {transform_indices = #map}, {transform_indices = #map}, {transform_indices = #map}, {transform_indices = #map}, {transform_indices = #map}, {transform_indices = #map}]} {
    %mul3A = arith.constant 2 : i32
    %mul3A_0 = arith.muli %arg1, %mul3A : i32
    %add3A = arith.addi %mul3A_0, %arg0 : i32
    %mul3A_1 = arith.constant 256 : i32
    %mul3A_2 = arith.muli %add3A, %mul3A_1 : i32
    "tpu.region"() ({
      %run_scoped3A = tpu.sem_alloc : memref<!tpu.dma_semaphore, #tpu.memory_space<semaphore_mem>>
      %dma_start3A_852 = tpu.memref_slice %arg3[%mul3A_2] : memref<8192xi32, #tpu.memory_space<hbm>> -> memref<256xi32, #tpu.memory_space<hbm>>
      %dma_start3A_853 = tpu.memref_slice %arg3[%mul3A_2] : memref<8192xi32, #tpu.memory_space<hbm>> -> memref<256xi32, #tpu.memory_space<hbm>>
      tpu.enqueue_dma source(%dma_start3A_853 : memref<256xi32, #tpu.memory_space<hbm>>) target(%arg9 : memref<256xi32, #tpu.memory_space<vmem>>) target_semaphore(%run_scoped3A : memref<!tpu.dma_semaphore, #tpu.memory_space<semaphore_mem>>)
      %dma_wait3A_854 = tpu.memref_slice %arg3[%mul3A_2] : memref<8192xi32, #tpu.memory_space<hbm>> -> memref<256xi32, #tpu.memory_space<hbm>>
      %dma_wait3A_855 = tpu.memref_slice %arg3[%mul3A_2] : memref<8192xi32, #tpu.memory_space<hbm>> -> memref<256xi32, #tpu.memory_space<hbm>>
      tpu.wait_dma2 semaphore(%run_scoped3A : memref<!tpu.dma_semaphore, #tpu.memory_space<semaphore_mem>>) src(%dma_wait3A_855 : memref<256xi32, #tpu.memory_space<hbm>>) dst(%arg9 : memref<256xi32, #tpu.memory_space<vmem>>)
      tpu.yield
    }) : () -> ()
    "tpu.region"() ({
      %run_scoped3A = tpu.sem_alloc : memref<!tpu.dma_semaphore, #tpu.memory_space<semaphore_mem>>
      %dma_start3A_852 = tpu.memref_slice %arg2[%mul3A_2] : memref<8192xf32, #tpu.memory_space<hbm>> -> memref<256xf32, #tpu.memory_space<hbm>>
      %dma_start3A_853 = tpu.memref_slice %arg2[%mul3A_2] : memref<8192xf32, #tpu.memory_space<hbm>> -> memref<256xf32, #tpu.memory_space<hbm>>
      tpu.enqueue_dma source(%dma_start3A_853 : memref<256xf32, #tpu.memory_space<hbm>>) target(%arg10 : memref<256xf32, #tpu.memory_space<vmem>>) target_semaphore(%run_scoped3A : memref<!tpu.dma_semaphore, #tpu.memory_space<semaphore_mem>>)
      %dma_wait3A_854 = tpu.memref_slice %arg2[%mul3A_2] : memref<8192xf32, #tpu.memory_space<hbm>> -> memref<256xf32, #tpu.memory_space<hbm>>
      %dma_wait3A_855 = tpu.memref_slice %arg2[%mul3A_2] : memref<8192xf32, #tpu.memory_space<hbm>> -> memref<256xf32, #tpu.memory_space<hbm>>
      tpu.wait_dma2 semaphore(%run_scoped3A : memref<!tpu.dma_semaphore, #tpu.memory_space<semaphore_mem>>) src(%dma_wait3A_855 : memref<256xf32, #tpu.memory_space<hbm>>) dst(%arg10 : memref<256xf32, #tpu.memory_space<vmem>>)
      tpu.yield
    }) : () -> ()
    "tpu.region"() ({
      %run_scoped3A = tpu.sem_alloc : memref<!tpu.dma_semaphore, #tpu.memory_space<semaphore_mem>>
      tpu.enqueue_dma source(%arg6 : memref<16xf32, #tpu.memory_space<hbm>>) target(%arg11 : memref<16xf32, #tpu.memory_space<vmem>>) target_semaphore(%run_scoped3A : memref<!tpu.dma_semaphore, #tpu.memory_space<semaphore_mem>>)
      tpu.wait_dma2 semaphore(%run_scoped3A : memref<!tpu.dma_semaphore, #tpu.memory_space<semaphore_mem>>) src(%arg6 : memref<16xf32, #tpu.memory_space<hbm>>) dst(%arg11 : memref<16xf32, #tpu.memory_space<vmem>>)
      tpu.yield
    }) : () -> ()
    %dma_start3A = arith.constant 0 : i32
    %dma_start3A_3 = tpu.memref_slice %arg4[%dma_start3A] : memref<8192xf32, #tpu.memory_space<hbm>> -> memref<8192xf32, #tpu.memory_space<hbm>>
    tpu.enqueue_indirect_dma source(%dma_start3A_3 : memref<8192xf32, #tpu.memory_space<hbm>>) target(%arg12 : memref<256xf32, #tpu.memory_space<vmem>>) offsets(%arg9 : memref<256xi32, #tpu.memory_space<vmem>>) semaphore(%arg16 : memref<!tpu.dma_semaphore, #tpu.memory_space<semaphore_mem>>)
    %dma_start3A_4 = arith.constant 0 : i32
    %dma_start3A_5 = tpu.memref_slice %arg5[%dma_start3A_4] : memref<8192xf32, #tpu.memory_space<hbm>> -> memref<8192xf32, #tpu.memory_space<hbm>>
    tpu.enqueue_indirect_dma source(%dma_start3A_5 : memref<8192xf32, #tpu.memory_space<hbm>>) target(%arg13 : memref<256xf32, #tpu.memory_space<vmem>>) offsets(%arg9 : memref<256xi32, #tpu.memory_space<vmem>>) semaphore(%arg17 : memref<!tpu.dma_semaphore, #tpu.memory_space<semaphore_mem>>)
    %dma_wait3A = arith.constant 0 : i32
    %dma_wait3A_6 = tpu.memref_slice %arg4[%dma_wait3A] : memref<8192xf32, #tpu.memory_space<hbm>> -> memref<8192xf32, #tpu.memory_space<hbm>>
    tpu.wait_indirect_dma semaphore(%arg16 : memref<!tpu.dma_semaphore, #tpu.memory_space<semaphore_mem>>) src(%dma_wait3A_6 : memref<8192xf32, #tpu.memory_space<hbm>>) dst(%arg12 : memref<256xf32, #tpu.memory_space<vmem>>)
    %dma_wait3A_7 = arith.constant 0 : i32
    %dma_wait3A_8 = tpu.memref_slice %arg5[%dma_wait3A_7] : memref<8192xf32, #tpu.memory_space<hbm>> -> memref<8192xf32, #tpu.memory_space<hbm>>
    tpu.wait_indirect_dma semaphore(%arg17 : memref<!tpu.dma_semaphore, #tpu.memory_space<semaphore_mem>>) src(%dma_wait3A_8 : memref<8192xf32, #tpu.memory_space<hbm>>) dst(%arg13 : memref<256xf32, #tpu.memory_space<vmem>>)
    %get3A = arith.constant 0 : index
    %get3A_9 = tpu.vector_load %arg11[%get3A] {strides = array<i32>} : memref<16xf32, #tpu.memory_space<vmem>>, vector<16xf32>,
    %get3A_10 = vector.shape_cast %get3A_9 : vector<16xf32> to vector<16xf32>
    %get3A_11 = arith.constant 0 : index
    %get3A_12 = tpu.vector_load %arg10[%get3A_11] {strides = array<i32>} : memref<256xf32, #tpu.memory_space<vmem>>, vector<16xf32>,
    %get3A_13 = vector.shape_cast %get3A_12 : vector<16xf32> to vector<16xf32>
    %get3A_14 = arith.constant 0 : index
    %get3A_15 = tpu.vector_load %arg12[%get3A_14] {strides = array<i32>} : memref<256xf32, #tpu.memory_space<vmem>>, vector<16xf32>,
    %get3A_16 = vector.shape_cast %get3A_15 : vector<16xf32> to vector<16xf32>
    %get3A_17 = arith.constant 0 : index
    %get3A_18 = tpu.vector_load %arg13[%get3A_17] {strides = array<i32>} : memref<256xf32, #tpu.memory_space<vmem>>, vector<16xf32>,
    %get3A_19 = vector.shape_cast %get3A_18 : vector<16xf32> to vector<16xf32>
    %neg3A = arith.constant 0.000000e+00 : f32
    %neg3A_20 = vector.broadcast %neg3A : f32 to vector<16xf32>
    %neg3A_21 = arith.subf %neg3A_20, %get3A_13 : vector<16xf32>
    %exp3A = math.exp %neg3A_21 : vector<16xf32>
    %add3A_22 = arith.constant 1.000000e+00 : f32
    %add3A_23 = vector.broadcast %add3A_22 : f32 to vector<16xf32>
    %add3A_24 = arith.addf %add3A_23, %exp3A : vector<16xf32>
    %div3A = arith.constant 1.000000e+00 : f32
    %div3A_25 = vector.broadcast %div3A : f32 to vector<16xf32>
    %div3A_26 = arith.divf %div3A_25, %add3A_24 : vector<16xf32>
    %div3A_27 = arith.divf %get3A_16, %get3A_10 : vector<16xf32>
    %mul3A_28 = arith.mulf %div3A_27, %get3A_19 : vector<16xf32>
    %mul3A_29 = arith.mulf %mul3A_28, %div3A_26 : vector<16xf32>
    %max3A = arith.constant 1.000000e-01 : f32
    %max3A_30 = vector.broadcast %max3A : f32 to vector<16xf32>
    %max3A_31 = arith.maximumf %mul3A_29, %max3A_30 : vector<16xf32>
    %min3A = arith.constant 1.000000e+00 : f32
    %min3A_32 = vector.broadcast %min3A : f32 to vector<16xf32>
    %min3A_33 = arith.minimumf %max3A_31, %min3A_32 : vector<16xf32>
    %sub3A = arith.constant 3.000000e-01 : f32
    %sub3A_34 = vector.broadcast %sub3A : f32 to vector<16xf32>
    %sub3A_35 = arith.subf %get3A_13, %sub3A_34 : vector<16xf32>
    %neg3A_36 = arith.constant 0.000000e+00 : f32
    %neg3A_37 = vector.broadcast %neg3A_36 : f32 to vector<16xf32>
    %neg3A_38 = arith.subf %neg3A_37, %sub3A_35 : vector<16xf32>
    %mul3A_39 = arith.constant 3.000000e+00 : f32
    %mul3A_40 = vector.broadcast %mul3A_39 : f32 to vector<16xf32>
    %mul3A_41 = arith.mulf %neg3A_38, %mul3A_40 : vector<16xf32>
    %exp3A_42 = math.exp %mul3A_41 : vector<16xf32>
    %add3A_43 = arith.constant 1.000000e+00 : f32
    %add3A_44 = vector.broadcast %add3A_43 : f32 to vector<16xf32>
    %add3A_45 = arith.addf %add3A_44, %exp3A_42 : vector<16xf32>
    %div3A_46 = arith.constant 1.000000e+00 : f32
    %div3A_47 = vector.broadcast %div3A_46 : f32 to vector<16xf32>
    %div3A_48 = arith.divf %div3A_47, %add3A_45 : vector<16xf32>
    %mul3A_49 = arith.mulf %div3A_48, %min3A_33 : vector<16xf32>
    %swap3A = arith.constant 0 : index
    %swap3A_50 = tpu.vector_load %arg14[%swap3A] {strides = array<i32>} : memref<256xf32, #tpu.memory_space<vmem>>, vector<16xf32>,
    %swap3A_51 = vector.shape_cast %swap3A_50 : vector<16xf32> to vector<16xf32>
    %swap3A_52 = vector.shape_cast %min3A_33 : vector<16xf32> to vector<16xf32>
    tpu.vector_store %arg14[%swap3A], %swap3A_52 {strides = array<i32>} : memref<256xf32, #tpu.memory_space<vmem>>, vector<16xf32>,
    %swap3A_53 = arith.constant 0 : index
    %swap3A_54 = tpu.vector_load %arg15[%swap3A_53] {strides = array<i32>} : memref<256xf32, #tpu.memory_space<vmem>>, vector<16xf32>,
    %swap3A_55 = vector.shape_cast %swap3A_54 : vector<16xf32> to vector<16xf32>
    %swap3A_56 = vector.shape_cast %mul3A_49 : vector<16xf32> to vector<16xf32>
    tpu.vector_store %arg15[%swap3A_53], %swap3A_56 {strides = array<i32>} : memref<256xf32, #tpu.memory_space<vmem>>, vector<16xf32>,
    %get3A_57 = arith.constant 16 : index
    %get3A_58 = tpu.vector_load %arg10[%get3A_57] {strides = array<i32>} : memref<256xf32, #tpu.memory_space<vmem>>, vector<16xf32>,
    %get3A_59 = vector.shape_cast %get3A_58 : vector<16xf32> to vector<16xf32>
    %get3A_60 = arith.constant 16 : index
    %get3A_61 = tpu.vector_load %arg12[%get3A_60] {strides = array<i32>} : memref<256xf32, #tpu.memory_space<vmem>>, vector<16xf32>,
    %get3A_62 = vector.shape_cast %get3A_61 : vector<16xf32> to vector<16xf32>
    %get3A_63 = arith.constant 16 : index
    %get3A_64 = tpu.vector_load %arg13[%get3A_63] {strides = array<i32>} : memref<256xf32, #tpu.memory_space<vmem>>, vector<16xf32>,
    %get3A_65 = vector.shape_cast %get3A_64 : vector<16xf32> to vector<16xf32>
    %neg3A_66 = arith.constant 0.000000e+00 : f32
    %neg3A_67 = vector.broadcast %neg3A_66 : f32 to vector<16xf32>
    %neg3A_68 = arith.subf %neg3A_67, %get3A_59 : vector<16xf32>
    %exp3A_69 = math.exp %neg3A_68 : vector<16xf32>
    %add3A_70 = arith.constant 1.000000e+00 : f32
    %add3A_71 = vector.broadcast %add3A_70 : f32 to vector<16xf32>
    %add3A_72 = arith.addf %add3A_71, %exp3A_69 : vector<16xf32>
    %div3A_73 = arith.constant 1.000000e+00 : f32
    %div3A_74 = vector.broadcast %div3A_73 : f32 to vector<16xf32>
    %div3A_75 = arith.divf %div3A_74, %add3A_72 : vector<16xf32>
    %div3A_76 = arith.divf %get3A_62, %get3A_10 : vector<16xf32>
    %mul3A_77 = arith.mulf %div3A_76, %get3A_65 : vector<16xf32>
    %mul3A_78 = arith.mulf %mul3A_77, %div3A_75 : vector<16xf32>
    %max3A_79 = arith.constant 1.000000e-01 : f32
    %max3A_80 = vector.broadcast %max3A_79 : f32 to vector<16xf32>
    %max3A_81 = arith.maximumf %mul3A_78, %max3A_80 : vector<16xf32>
    %min3A_82 = arith.constant 1.000000e+00 : f32
    %min3A_83 = vector.broadcast %min3A_82 : f32 to vector<16xf32>
    %min3A_84 = arith.minimumf %max3A_81, %min3A_83 : vector<16xf32>
    %sub3A_85 = arith.constant 3.000000e-01 : f32
    %sub3A_86 = vector.broadcast %sub3A_85 : f32 to vector<16xf32>
    %sub3A_87 = arith.subf %get3A_59, %sub3A_86 : vector<16xf32>
    %neg3A_88 = arith.constant 0.000000e+00 : f32
    %neg3A_89 = vector.broadcast %neg3A_88 : f32 to vector<16xf32>
    %neg3A_90 = arith.subf %neg3A_89, %sub3A_87 : vector<16xf32>
    %mul3A_91 = arith.constant 3.000000e+00 : f32
    %mul3A_92 = vector.broadcast %mul3A_91 : f32 to vector<16xf32>
    %mul3A_93 = arith.mulf %neg3A_90, %mul3A_92 : vector<16xf32>
    %exp3A_94 = math.exp %mul3A_93 : vector<16xf32>
    %add3A_95 = arith.constant 1.000000e+00 : f32
    %add3A_96 = vector.broadcast %add3A_95 : f32 to vector<16xf32>
    %add3A_97 = arith.addf %add3A_96, %exp3A_94 : vector<16xf32>
    %div3A_98 = arith.constant 1.000000e+00 : f32
    %div3A_99 = vector.broadcast %div3A_98 : f32 to vector<16xf32>
    %div3A_100 = arith.divf %div3A_99, %add3A_97 : vector<16xf32>
    %mul3A_101 = arith.mulf %div3A_100, %min3A_84 : vector<16xf32>
    %swap3A_102 = arith.constant 16 : index
    %swap3A_103 = tpu.vector_load %arg14[%swap3A_102] {strides = array<i32>} : memref<256xf32, #tpu.memory_space<vmem>>, vector<16xf32>,
    %swap3A_104 = vector.shape_cast %swap3A_103 : vector<16xf32> to vector<16xf32>
    %swap3A_105 = vector.shape_cast %min3A_84 : vector<16xf32> to vector<16xf32>
    tpu.vector_store %arg14[%swap3A_102], %swap3A_105 {strides = array<i32>} : memref<256xf32, #tpu.memory_space<vmem>>, vector<16xf32>,
    %swap3A_106 = arith.constant 16 : index
    %swap3A_107 = tpu.vector_load %arg15[%swap3A_106] {strides = array<i32>} : memref<256xf32, #tpu.memory_space<vmem>>, vector<16xf32>,
    %swap3A_108 = vector.shape_cast %swap3A_107 : vector<16xf32> to vector<16xf32>
    %swap3A_109 = vector.shape_cast %mul3A_101 : vector<16xf32> to vector<16xf32>
    tpu.vector_store %arg15[%swap3A_106], %swap3A_109 {strides = array<i32>} : memref<256xf32, #tpu.memory_space<vmem>>, vector<16xf32>,
    %get3A_110 = arith.constant 32 : index
    %get3A_111 = tpu.vector_load %arg10[%get3A_110] {strides = array<i32>} : memref<256xf32, #tpu.memory_space<vmem>>, vector<16xf32>,
    %get3A_112 = vector.shape_cast %get3A_111 : vector<16xf32> to vector<16xf32>
    %get3A_113 = arith.constant 32 : index
    %get3A_114 = tpu.vector_load %arg12[%get3A_113] {strides = array<i32>} : memref<256xf32, #tpu.memory_space<vmem>>, vector<16xf32>,
    %get3A_115 = vector.shape_cast %get3A_114 : vector<16xf32> to vector<16xf32>
    %get3A_116 = arith.constant 32 : index
    %get3A_117 = tpu.vector_load %arg13[%get3A_116] {strides = array<i32>} : memref<256xf32, #tpu.memory_space<vmem>>, vector<16xf32>,
    %get3A_118 = vector.shape_cast %get3A_117 : vector<16xf32> to vector<16xf32>
    %neg3A_119 = arith.constant 0.000000e+00 : f32
    %neg3A_120 = vector.broadcast %neg3A_119 : f32 to vector<16xf32>
    %neg3A_121 = arith.subf %neg3A_120, %get3A_112 : vector<16xf32>
    %exp3A_122 = math.exp %neg3A_121 : vector<16xf32>
    %add3A_123 = arith.constant 1.000000e+00 : f32
    %add3A_124 = vector.broadcast %add3A_123 : f32 to vector<16xf32>
    %add3A_125 = arith.addf %add3A_124, %exp3A_122 : vector<16xf32>
    %div3A_126 = arith.constant 1.000000e+00 : f32
    %div3A_127 = vector.broadcast %div3A_126 : f32 to vector<16xf32>
    %div3A_128 = arith.divf %div3A_127, %add3A_125 : vector<16xf32>
    %div3A_129 = arith.divf %get3A_115, %get3A_10 : vector<16xf32>
    %mul3A_130 = arith.mulf %div3A_129, %get3A_118 : vector<16xf32>
    %mul3A_131 = arith.mulf %mul3A_130, %div3A_128 : vector<16xf32>
    %max3A_132 = arith.constant 1.000000e-01 : f32
    %max3A_133 = vector.broadcast %max3A_132 : f32 to vector<16xf32>
    %max3A_134 = arith.maximumf %mul3A_131, %max3A_133 : vector<16xf32>
    %min3A_135 = arith.constant 1.000000e+00 : f32
    %min3A_136 = vector.broadcast %min3A_135 : f32 to vector<16xf32>
    %min3A_137 = arith.minimumf %max3A_134, %min3A_136 : vector<16xf32>
    %sub3A_138 = arith.constant 3.000000e-01 : f32
    %sub3A_139 = vector.broadcast %sub3A_138 : f32 to vector<16xf32>
    %sub3A_140 = arith.subf %get3A_112, %sub3A_139 : vector<16xf32>
    %neg3A_141 = arith.constant 0.000000e+00 : f32
    %neg3A_142 = vector.broadcast %neg3A_141 : f32 to vector<16xf32>
    %neg3A_143 = arith.subf %neg3A_142, %sub3A_140 : vector<16xf32>
    %mul3A_144 = arith.constant 3.000000e+00 : f32
    %mul3A_145 = vector.broadcast %mul3A_144 : f32 to vector<16xf32>
    %mul3A_146 = arith.mulf %neg3A_143, %mul3A_145 : vector<16xf32>
    %exp3A_147 = math.exp %mul3A_146 : vector<16xf32>
    %add3A_148 = arith.constant 1.000000e+00 : f32
    %add3A_149 = vector.broadcast %add3A_148 : f32 to vector<16xf32>
    %add3A_150 = arith.addf %add3A_149, %exp3A_147 : vector<16xf32>
    %div3A_151 = arith.constant 1.000000e+00 : f32
    %div3A_152 = vector.broadcast %div3A_151 : f32 to vector<16xf32>
    %div3A_153 = arith.divf %div3A_152, %add3A_150 : vector<16xf32>
    %mul3A_154 = arith.mulf %div3A_153, %min3A_137 : vector<16xf32>
    %swap3A_155 = arith.constant 32 : index
    %swap3A_156 = tpu.vector_load %arg14[%swap3A_155] {strides = array<i32>} : memref<256xf32, #tpu.memory_space<vmem>>, vector<16xf32>,
    %swap3A_157 = vector.shape_cast %swap3A_156 : vector<16xf32> to vector<16xf32>
    %swap3A_158 = vector.shape_cast %min3A_137 : vector<16xf32> to vector<16xf32>
    tpu.vector_store %arg14[%swap3A_155], %swap3A_158 {strides = array<i32>} : memref<256xf32, #tpu.memory_space<vmem>>, vector<16xf32>,
    %swap3A_159 = arith.constant 32 : index
    %swap3A_160 = tpu.vector_load %arg15[%swap3A_159] {strides = array<i32>} : memref<256xf32, #tpu.memory_space<vmem>>, vector<16xf32>,
    %swap3A_161 = vector.shape_cast %swap3A_160 : vector<16xf32> to vector<16xf32>
    %swap3A_162 = vector.shape_cast %mul3A_154 : vector<16xf32> to vector<16xf32>
    tpu.vector_store %arg15[%swap3A_159], %swap3A_162 {strides = array<i32>} : memref<256xf32, #tpu.memory_space<vmem>>, vector<16xf32>,
    %get3A_163 = arith.constant 48 : index
    %get3A_164 = tpu.vector_load %arg10[%get3A_163] {strides = array<i32>} : memref<256xf32, #tpu.memory_space<vmem>>, vector<16xf32>,
    %get3A_165 = vector.shape_cast %get3A_164 : vector<16xf32> to vector<16xf32>
    %get3A_166 = arith.constant 48 : index
    %get3A_167 = tpu.vector_load %arg12[%get3A_166] {strides = array<i32>} : memref<256xf32, #tpu.memory_space<vmem>>, vector<16xf32>,
    %get3A_168 = vector.shape_cast %get3A_167 : vector<16xf32> to vector<16xf32>
    %get3A_169 = arith.constant 48 : index
    %get3A_170 = tpu.vector_load %arg13[%get3A_169] {strides = array<i32>} : memref<256xf32, #tpu.memory_space<vmem>>, vector<16xf32>,
    %get3A_171 = vector.shape_cast %get3A_170 : vector<16xf32> to vector<16xf32>
    %neg3A_172 = arith.constant 0.000000e+00 : f32
    %neg3A_173 = vector.broadcast %neg3A_172 : f32 to vector<16xf32>
    %neg3A_174 = arith.subf %neg3A_173, %get3A_165 : vector<16xf32>
    %exp3A_175 = math.exp %neg3A_174 : vector<16xf32>
    %add3A_176 = arith.constant 1.000000e+00 : f32
    %add3A_177 = vector.broadcast %add3A_176 : f32 to vector<16xf32>
    %add3A_178 = arith.addf %add3A_177, %exp3A_175 : vector<16xf32>
    %div3A_179 = arith.constant 1.000000e+00 : f32
    %div3A_180 = vector.broadcast %div3A_179 : f32 to vector<16xf32>
    %div3A_181 = arith.divf %div3A_180, %add3A_178 : vector<16xf32>
    %div3A_182 = arith.divf %get3A_168, %get3A_10 : vector<16xf32>
    %mul3A_183 = arith.mulf %div3A_182, %get3A_171 : vector<16xf32>
    %mul3A_184 = arith.mulf %mul3A_183, %div3A_181 : vector<16xf32>
    %max3A_185 = arith.constant 1.000000e-01 : f32
    %max3A_186 = vector.broadcast %max3A_185 : f32 to vector<16xf32>
    %max3A_187 = arith.maximumf %mul3A_184, %max3A_186 : vector<16xf32>
    %min3A_188 = arith.constant 1.000000e+00 : f32
    %min3A_189 = vector.broadcast %min3A_188 : f32 to vector<16xf32>
    %min3A_190 = arith.minimumf %max3A_187, %min3A_189 : vector<16xf32>
    %sub3A_191 = arith.constant 3.000000e-01 : f32
    %sub3A_192 = vector.broadcast %sub3A_191 : f32 to vector<16xf32>
    %sub3A_193 = arith.subf %get3A_165, %sub3A_192 : vector<16xf32>
    %neg3A_194 = arith.constant 0.000000e+00 : f32
    %neg3A_195 = vector.broadcast %neg3A_194 : f32 to vector<16xf32>
    %neg3A_196 = arith.subf %neg3A_195, %sub3A_193 : vector<16xf32>
    %mul3A_197 = arith.constant 3.000000e+00 : f32
    %mul3A_198 = vector.broadcast %mul3A_197 : f32 to vector<16xf32>
    %mul3A_199 = arith.mulf %neg3A_196, %mul3A_198 : vector<16xf32>
    %exp3A_200 = math.exp %mul3A_199 : vector<16xf32>
    %add3A_201 = arith.constant 1.000000e+00 : f32
    %add3A_202 = vector.broadcast %add3A_201 : f32 to vector<16xf32>
    %add3A_203 = arith.addf %add3A_202, %exp3A_200 : vector<16xf32>
    %div3A_204 = arith.constant 1.000000e+00 : f32
    %div3A_205 = vector.broadcast %div3A_204 : f32 to vector<16xf32>
    %div3A_206 = arith.divf %div3A_205, %add3A_203 : vector<16xf32>
    %mul3A_207 = arith.mulf %div3A_206, %min3A_190 : vector<16xf32>
    %swap3A_208 = arith.constant 48 : index
    %swap3A_209 = tpu.vector_load %arg14[%swap3A_208] {strides = array<i32>} : memref<256xf32, #tpu.memory_space<vmem>>, vector<16xf32>,
    %swap3A_210 = vector.shape_cast %swap3A_209 : vector<16xf32> to vector<16xf32>
    %swap3A_211 = vector.shape_cast %min3A_190 : vector<16xf32> to vector<16xf32>
    tpu.vector_store %arg14[%swap3A_208], %swap3A_211 {strides = array<i32>} : memref<256xf32, #tpu.memory_space<vmem>>, vector<16xf32>,
    %swap3A_212 = arith.constant 48 : index
    %swap3A_213 = tpu.vector_load %arg15[%swap3A_212] {strides = array<i32>} : memref<256xf32, #tpu.memory_space<vmem>>, vector<16xf32>,
    %swap3A_214 = vector.shape_cast %swap3A_213 : vector<16xf32> to vector<16xf32>
    %swap3A_215 = vector.shape_cast %mul3A_207 : vector<16xf32> to vector<16xf32>
    tpu.vector_store %arg15[%swap3A_212], %swap3A_215 {strides = array<i32>} : memref<256xf32, #tpu.memory_space<vmem>>, vector<16xf32>,
    %get3A_216 = arith.constant 64 : index
    %get3A_217 = tpu.vector_load %arg10[%get3A_216] {strides = array<i32>} : memref<256xf32, #tpu.memory_space<vmem>>, vector<16xf32>,
    %get3A_218 = vector.shape_cast %get3A_217 : vector<16xf32> to vector<16xf32>
    %get3A_219 = arith.constant 64 : index
    %get3A_220 = tpu.vector_load %arg12[%get3A_219] {strides = array<i32>} : memref<256xf32, #tpu.memory_space<vmem>>, vector<16xf32>,
    %get3A_221 = vector.shape_cast %get3A_220 : vector<16xf32> to vector<16xf32>
    %get3A_222 = arith.constant 64 : index
    %get3A_223 = tpu.vector_load %arg13[%get3A_222] {strides = array<i32>} : memref<256xf32, #tpu.memory_space<vmem>>, vector<16xf32>,
    %get3A_224 = vector.shape_cast %get3A_223 : vector<16xf32> to vector<16xf32>
    %neg3A_225 = arith.constant 0.000000e+00 : f32
    %neg3A_226 = vector.broadcast %neg3A_225 : f32 to vector<16xf32>
    %neg3A_227 = arith.subf %neg3A_226, %get3A_218 : vector<16xf32>
    %exp3A_228 = math.exp %neg3A_227 : vector<16xf32>
    %add3A_229 = arith.constant 1.000000e+00 : f32
    %add3A_230 = vector.broadcast %add3A_229 : f32 to vector<16xf32>
    %add3A_231 = arith.addf %add3A_230, %exp3A_228 : vector<16xf32>
    %div3A_232 = arith.constant 1.000000e+00 : f32
    %div3A_233 = vector.broadcast %div3A_232 : f32 to vector<16xf32>
    %div3A_234 = arith.divf %div3A_233, %add3A_231 : vector<16xf32>
    %div3A_235 = arith.divf %get3A_221, %get3A_10 : vector<16xf32>
    %mul3A_236 = arith.mulf %div3A_235, %get3A_224 : vector<16xf32>
    %mul3A_237 = arith.mulf %mul3A_236, %div3A_234 : vector<16xf32>
    %max3A_238 = arith.constant 1.000000e-01 : f32
    %max3A_239 = vector.broadcast %max3A_238 : f32 to vector<16xf32>
    %max3A_240 = arith.maximumf %mul3A_237, %max3A_239 : vector<16xf32>
    %min3A_241 = arith.constant 1.000000e+00 : f32
    %min3A_242 = vector.broadcast %min3A_241 : f32 to vector<16xf32>
    %min3A_243 = arith.minimumf %max3A_240, %min3A_242 : vector<16xf32>
    %sub3A_244 = arith.constant 3.000000e-01 : f32
    %sub3A_245 = vector.broadcast %sub3A_244 : f32 to vector<16xf32>
    %sub3A_246 = arith.subf %get3A_218, %sub3A_245 : vector<16xf32>
    %neg3A_247 = arith.constant 0.000000e+00 : f32
    %neg3A_248 = vector.broadcast %neg3A_247 : f32 to vector<16xf32>
    %neg3A_249 = arith.subf %neg3A_248, %sub3A_246 : vector<16xf32>
    %mul3A_250 = arith.constant 3.000000e+00 : f32
    %mul3A_251 = vector.broadcast %mul3A_250 : f32 to vector<16xf32>
    %mul3A_252 = arith.mulf %neg3A_249, %mul3A_251 : vector<16xf32>
    %exp3A_253 = math.exp %mul3A_252 : vector<16xf32>
    %add3A_254 = arith.constant 1.000000e+00 : f32
    %add3A_255 = vector.broadcast %add3A_254 : f32 to vector<16xf32>
    %add3A_256 = arith.addf %add3A_255, %exp3A_253 : vector<16xf32>
    %div3A_257 = arith.constant 1.000000e+00 : f32
    %div3A_258 = vector.broadcast %div3A_257 : f32 to vector<16xf32>
    %div3A_259 = arith.divf %div3A_258, %add3A_256 : vector<16xf32>
    %mul3A_260 = arith.mulf %div3A_259, %min3A_243 : vector<16xf32>
    %swap3A_261 = arith.constant 64 : index
    %swap3A_262 = tpu.vector_load %arg14[%swap3A_261] {strides = array<i32>} : memref<256xf32, #tpu.memory_space<vmem>>, vector<16xf32>,
    %swap3A_263 = vector.shape_cast %swap3A_262 : vector<16xf32> to vector<16xf32>
    %swap3A_264 = vector.shape_cast %min3A_243 : vector<16xf32> to vector<16xf32>
    tpu.vector_store %arg14[%swap3A_261], %swap3A_264 {strides = array<i32>} : memref<256xf32, #tpu.memory_space<vmem>>, vector<16xf32>,
    %swap3A_265 = arith.constant 64 : index
    %swap3A_266 = tpu.vector_load %arg15[%swap3A_265] {strides = array<i32>} : memref<256xf32, #tpu.memory_space<vmem>>, vector<16xf32>,
    %swap3A_267 = vector.shape_cast %swap3A_266 : vector<16xf32> to vector<16xf32>
    %swap3A_268 = vector.shape_cast %mul3A_260 : vector<16xf32> to vector<16xf32>
    tpu.vector_store %arg15[%swap3A_265], %swap3A_268 {strides = array<i32>} : memref<256xf32, #tpu.memory_space<vmem>>, vector<16xf32>,
    %get3A_269 = arith.constant 80 : index
    %get3A_270 = tpu.vector_load %arg10[%get3A_269] {strides = array<i32>} : memref<256xf32, #tpu.memory_space<vmem>>, vector<16xf32>,
    %get3A_271 = vector.shape_cast %get3A_270 : vector<16xf32> to vector<16xf32>
    %get3A_272 = arith.constant 80 : index
    %get3A_273 = tpu.vector_load %arg12[%get3A_272] {strides = array<i32>} : memref<256xf32, #tpu.memory_space<vmem>>, vector<16xf32>,
    %get3A_274 = vector.shape_cast %get3A_273 : vector<16xf32> to vector<16xf32>
    %get3A_275 = arith.constant 80 : index
    %get3A_276 = tpu.vector_load %arg13[%get3A_275] {strides = array<i32>} : memref<256xf32, #tpu.memory_space<vmem>>, vector<16xf32>,
    %get3A_277 = vector.shape_cast %get3A_276 : vector<16xf32> to vector<16xf32>
    %neg3A_278 = arith.constant 0.000000e+00 : f32
    %neg3A_279 = vector.broadcast %neg3A_278 : f32 to vector<16xf32>
    %neg3A_280 = arith.subf %neg3A_279, %get3A_271 : vector<16xf32>
    %exp3A_281 = math.exp %neg3A_280 : vector<16xf32>
    %add3A_282 = arith.constant 1.000000e+00 : f32
    %add3A_283 = vector.broadcast %add3A_282 : f32 to vector<16xf32>
    %add3A_284 = arith.addf %add3A_283, %exp3A_281 : vector<16xf32>
    %div3A_285 = arith.constant 1.000000e+00 : f32
    %div3A_286 = vector.broadcast %div3A_285 : f32 to vector<16xf32>
    %div3A_287 = arith.divf %div3A_286, %add3A_284 : vector<16xf32>
    %div3A_288 = arith.divf %get3A_274, %get3A_10 : vector<16xf32>
    %mul3A_289 = arith.mulf %div3A_288, %get3A_277 : vector<16xf32>
    %mul3A_290 = arith.mulf %mul3A_289, %div3A_287 : vector<16xf32>
    %max3A_291 = arith.constant 1.000000e-01 : f32
    %max3A_292 = vector.broadcast %max3A_291 : f32 to vector<16xf32>
    %max3A_293 = arith.maximumf %mul3A_290, %max3A_292 : vector<16xf32>
    %min3A_294 = arith.constant 1.000000e+00 : f32
    %min3A_295 = vector.broadcast %min3A_294 : f32 to vector<16xf32>
    %min3A_296 = arith.minimumf %max3A_293, %min3A_295 : vector<16xf32>
    %sub3A_297 = arith.constant 3.000000e-01 : f32
    %sub3A_298 = vector.broadcast %sub3A_297 : f32 to vector<16xf32>
    %sub3A_299 = arith.subf %get3A_271, %sub3A_298 : vector<16xf32>
    %neg3A_300 = arith.constant 0.000000e+00 : f32
    %neg3A_301 = vector.broadcast %neg3A_300 : f32 to vector<16xf32>
    %neg3A_302 = arith.subf %neg3A_301, %sub3A_299 : vector<16xf32>
    %mul3A_303 = arith.constant 3.000000e+00 : f32
    %mul3A_304 = vector.broadcast %mul3A_303 : f32 to vector<16xf32>
    %mul3A_305 = arith.mulf %neg3A_302, %mul3A_304 : vector<16xf32>
    %exp3A_306 = math.exp %mul3A_305 : vector<16xf32>
    %add3A_307 = arith.constant 1.000000e+00 : f32
    %add3A_308 = vector.broadcast %add3A_307 : f32 to vector<16xf32>
    %add3A_309 = arith.addf %add3A_308, %exp3A_306 : vector<16xf32>
    %div3A_310 = arith.constant 1.000000e+00 : f32
    %div3A_311 = vector.broadcast %div3A_310 : f32 to vector<16xf32>
    %div3A_312 = arith.divf %div3A_311, %add3A_309 : vector<16xf32>
    %mul3A_313 = arith.mulf %div3A_312, %min3A_296 : vector<16xf32>
    %swap3A_314 = arith.constant 80 : index
    %swap3A_315 = tpu.vector_load %arg14[%swap3A_314] {strides = array<i32>} : memref<256xf32, #tpu.memory_space<vmem>>, vector<16xf32>,
    %swap3A_316 = vector.shape_cast %swap3A_315 : vector<16xf32> to vector<16xf32>
    %swap3A_317 = vector.shape_cast %min3A_296 : vector<16xf32> to vector<16xf32>
    tpu.vector_store %arg14[%swap3A_314], %swap3A_317 {strides = array<i32>} : memref<256xf32, #tpu.memory_space<vmem>>, vector<16xf32>,
    %swap3A_318 = arith.constant 80 : index
    %swap3A_319 = tpu.vector_load %arg15[%swap3A_318] {strides = array<i32>} : memref<256xf32, #tpu.memory_space<vmem>>, vector<16xf32>,
    %swap3A_320 = vector.shape_cast %swap3A_319 : vector<16xf32> to vector<16xf32>
    %swap3A_321 = vector.shape_cast %mul3A_313 : vector<16xf32> to vector<16xf32>
    tpu.vector_store %arg15[%swap3A_318], %swap3A_321 {strides = array<i32>} : memref<256xf32, #tpu.memory_space<vmem>>, vector<16xf32>,
    %get3A_322 = arith.constant 96 : index
    %get3A_323 = tpu.vector_load %arg10[%get3A_322] {strides = array<i32>} : memref<256xf32, #tpu.memory_space<vmem>>, vector<16xf32>,
    %get3A_324 = vector.shape_cast %get3A_323 : vector<16xf32> to vector<16xf32>
    %get3A_325 = arith.constant 96 : index
    %get3A_326 = tpu.vector_load %arg12[%get3A_325] {strides = array<i32>} : memref<256xf32, #tpu.memory_space<vmem>>, vector<16xf32>,
    %get3A_327 = vector.shape_cast %get3A_326 : vector<16xf32> to vector<16xf32>
    %get3A_328 = arith.constant 96 : index
    %get3A_329 = tpu.vector_load %arg13[%get3A_328] {strides = array<i32>} : memref<256xf32, #tpu.memory_space<vmem>>, vector<16xf32>,
    %get3A_330 = vector.shape_cast %get3A_329 : vector<16xf32> to vector<16xf32>
    %neg3A_331 = arith.constant 0.000000e+00 : f32
    %neg3A_332 = vector.broadcast %neg3A_331 : f32 to vector<16xf32>
    %neg3A_333 = arith.subf %neg3A_332, %get3A_324 : vector<16xf32>
    %exp3A_334 = math.exp %neg3A_333 : vector<16xf32>
    %add3A_335 = arith.constant 1.000000e+00 : f32
    %add3A_336 = vector.broadcast %add3A_335 : f32 to vector<16xf32>
    %add3A_337 = arith.addf %add3A_336, %exp3A_334 : vector<16xf32>
    %div3A_338 = arith.constant 1.000000e+00 : f32
    %div3A_339 = vector.broadcast %div3A_338 : f32 to vector<16xf32>
    %div3A_340 = arith.divf %div3A_339, %add3A_337 : vector<16xf32>
    %div3A_341 = arith.divf %get3A_327, %get3A_10 : vector<16xf32>
    %mul3A_342 = arith.mulf %div3A_341, %get3A_330 : vector<16xf32>
    %mul3A_343 = arith.mulf %mul3A_342, %div3A_340 : vector<16xf32>
    %max3A_344 = arith.constant 1.000000e-01 : f32
    %max3A_345 = vector.broadcast %max3A_344 : f32 to vector<16xf32>
    %max3A_346 = arith.maximumf %mul3A_343, %max3A_345 : vector<16xf32>
    %min3A_347 = arith.constant 1.000000e+00 : f32
    %min3A_348 = vector.broadcast %min3A_347 : f32 to vector<16xf32>
    %min3A_349 = arith.minimumf %max3A_346, %min3A_348 : vector<16xf32>
    %sub3A_350 = arith.constant 3.000000e-01 : f32
    %sub3A_351 = vector.broadcast %sub3A_350 : f32 to vector<16xf32>
    %sub3A_352 = arith.subf %get3A_324, %sub3A_351 : vector<16xf32>
    %neg3A_353 = arith.constant 0.000000e+00 : f32
    %neg3A_354 = vector.broadcast %neg3A_353 : f32 to vector<16xf32>
    %neg3A_355 = arith.subf %neg3A_354, %sub3A_352 : vector<16xf32>
    %mul3A_356 = arith.constant 3.000000e+00 : f32
    %mul3A_357 = vector.broadcast %mul3A_356 : f32 to vector<16xf32>
    %mul3A_358 = arith.mulf %neg3A_355, %mul3A_357 : vector<16xf32>
    %exp3A_359 = math.exp %mul3A_358 : vector<16xf32>
    %add3A_360 = arith.constant 1.000000e+00 : f32
    %add3A_361 = vector.broadcast %add3A_360 : f32 to vector<16xf32>
    %add3A_362 = arith.addf %add3A_361, %exp3A_359 : vector<16xf32>
    %div3A_363 = arith.constant 1.000000e+00 : f32
    %div3A_364 = vector.broadcast %div3A_363 : f32 to vector<16xf32>
    %div3A_365 = arith.divf %div3A_364, %add3A_362 : vector<16xf32>
    %mul3A_366 = arith.mulf %div3A_365, %min3A_349 : vector<16xf32>
    %swap3A_367 = arith.constant 96 : index
    %swap3A_368 = tpu.vector_load %arg14[%swap3A_367] {strides = array<i32>} : memref<256xf32, #tpu.memory_space<vmem>>, vector<16xf32>,
    %swap3A_369 = vector.shape_cast %swap3A_368 : vector<16xf32> to vector<16xf32>
    %swap3A_370 = vector.shape_cast %min3A_349 : vector<16xf32> to vector<16xf32>
    tpu.vector_store %arg14[%swap3A_367], %swap3A_370 {strides = array<i32>} : memref<256xf32, #tpu.memory_space<vmem>>, vector<16xf32>,
    %swap3A_371 = arith.constant 96 : index
    %swap3A_372 = tpu.vector_load %arg15[%swap3A_371] {strides = array<i32>} : memref<256xf32, #tpu.memory_space<vmem>>, vector<16xf32>,
    %swap3A_373 = vector.shape_cast %swap3A_372 : vector<16xf32> to vector<16xf32>
    %swap3A_374 = vector.shape_cast %mul3A_366 : vector<16xf32> to vector<16xf32>
    tpu.vector_store %arg15[%swap3A_371], %swap3A_374 {strides = array<i32>} : memref<256xf32, #tpu.memory_space<vmem>>, vector<16xf32>,
    %get3A_375 = arith.constant 112 : index
    %get3A_376 = tpu.vector_load %arg10[%get3A_375] {strides = array<i32>} : memref<256xf32, #tpu.memory_space<vmem>>, vector<16xf32>,
    %get3A_377 = vector.shape_cast %get3A_376 : vector<16xf32> to vector<16xf32>
    %get3A_378 = arith.constant 112 : index
    %get3A_379 = tpu.vector_load %arg12[%get3A_378] {strides = array<i32>} : memref<256xf32, #tpu.memory_space<vmem>>, vector<16xf32>,
    %get3A_380 = vector.shape_cast %get3A_379 : vector<16xf32> to vector<16xf32>
    %get3A_381 = arith.constant 112 : index
    %get3A_382 = tpu.vector_load %arg13[%get3A_381] {strides = array<i32>} : memref<256xf32, #tpu.memory_space<vmem>>, vector<16xf32>,
    %get3A_383 = vector.shape_cast %get3A_382 : vector<16xf32> to vector<16xf32>
    %neg3A_384 = arith.constant 0.000000e+00 : f32
    %neg3A_385 = vector.broadcast %neg3A_384 : f32 to vector<16xf32>
    %neg3A_386 = arith.subf %neg3A_385, %get3A_377 : vector<16xf32>
    %exp3A_387 = math.exp %neg3A_386 : vector<16xf32>
    %add3A_388 = arith.constant 1.000000e+00 : f32
    %add3A_389 = vector.broadcast %add3A_388 : f32 to vector<16xf32>
    %add3A_390 = arith.addf %add3A_389, %exp3A_387 : vector<16xf32>
    %div3A_391 = arith.constant 1.000000e+00 : f32
    %div3A_392 = vector.broadcast %div3A_391 : f32 to vector<16xf32>
    %div3A_393 = arith.divf %div3A_392, %add3A_390 : vector<16xf32>
    %div3A_394 = arith.divf %get3A_380, %get3A_10 : vector<16xf32>
    %mul3A_395 = arith.mulf %div3A_394, %get3A_383 : vector<16xf32>
    %mul3A_396 = arith.mulf %mul3A_395, %div3A_393 : vector<16xf32>
    %max3A_397 = arith.constant 1.000000e-01 : f32
    %max3A_398 = vector.broadcast %max3A_397 : f32 to vector<16xf32>
    %max3A_399 = arith.maximumf %mul3A_396, %max3A_398 : vector<16xf32>
    %min3A_400 = arith.constant 1.000000e+00 : f32
    %min3A_401 = vector.broadcast %min3A_400 : f32 to vector<16xf32>
    %min3A_402 = arith.minimumf %max3A_399, %min3A_401 : vector<16xf32>
    %sub3A_403 = arith.constant 3.000000e-01 : f32
    %sub3A_404 = vector.broadcast %sub3A_403 : f32 to vector<16xf32>
    %sub3A_405 = arith.subf %get3A_377, %sub3A_404 : vector<16xf32>
    %neg3A_406 = arith.constant 0.000000e+00 : f32
    %neg3A_407 = vector.broadcast %neg3A_406 : f32 to vector<16xf32>
    %neg3A_408 = arith.subf %neg3A_407, %sub3A_405 : vector<16xf32>
    %mul3A_409 = arith.constant 3.000000e+00 : f32
    %mul3A_410 = vector.broadcast %mul3A_409 : f32 to vector<16xf32>
    %mul3A_411 = arith.mulf %neg3A_408, %mul3A_410 : vector<16xf32>
    %exp3A_412 = math.exp %mul3A_411 : vector<16xf32>
    %add3A_413 = arith.constant 1.000000e+00 : f32
    %add3A_414 = vector.broadcast %add3A_413 : f32 to vector<16xf32>
    %add3A_415 = arith.addf %add3A_414, %exp3A_412 : vector<16xf32>
    %div3A_416 = arith.constant 1.000000e+00 : f32
    %div3A_417 = vector.broadcast %div3A_416 : f32 to vector<16xf32>
    %div3A_418 = arith.divf %div3A_417, %add3A_415 : vector<16xf32>
    %mul3A_419 = arith.mulf %div3A_418, %min3A_402 : vector<16xf32>
    %swap3A_420 = arith.constant 112 : index
    %swap3A_421 = tpu.vector_load %arg14[%swap3A_420] {strides = array<i32>} : memref<256xf32, #tpu.memory_space<vmem>>, vector<16xf32>,
    %swap3A_422 = vector.shape_cast %swap3A_421 : vector<16xf32> to vector<16xf32>
    %swap3A_423 = vector.shape_cast %min3A_402 : vector<16xf32> to vector<16xf32>
    tpu.vector_store %arg14[%swap3A_420], %swap3A_423 {strides = array<i32>} : memref<256xf32, #tpu.memory_space<vmem>>, vector<16xf32>,
    %swap3A_424 = arith.constant 112 : index
    %swap3A_425 = tpu.vector_load %arg15[%swap3A_424] {strides = array<i32>} : memref<256xf32, #tpu.memory_space<vmem>>, vector<16xf32>,
    %swap3A_426 = vector.shape_cast %swap3A_425 : vector<16xf32> to vector<16xf32>
    %swap3A_427 = vector.shape_cast %mul3A_419 : vector<16xf32> to vector<16xf32>
    tpu.vector_store %arg15[%swap3A_424], %swap3A_427 {strides = array<i32>} : memref<256xf32, #tpu.memory_space<vmem>>, vector<16xf32>,
    %get3A_428 = arith.constant 128 : index
    %get3A_429 = tpu.vector_load %arg10[%get3A_428] {strides = array<i32>} : memref<256xf32, #tpu.memory_space<vmem>>, vector<16xf32>,
    %get3A_430 = vector.shape_cast %get3A_429 : vector<16xf32> to vector<16xf32>
    %get3A_431 = arith.constant 128 : index
    %get3A_432 = tpu.vector_load %arg12[%get3A_431] {strides = array<i32>} : memref<256xf32, #tpu.memory_space<vmem>>, vector<16xf32>,
    %get3A_433 = vector.shape_cast %get3A_432 : vector<16xf32> to vector<16xf32>
    %get3A_434 = arith.constant 128 : index
    %get3A_435 = tpu.vector_load %arg13[%get3A_434] {strides = array<i32>} : memref<256xf32, #tpu.memory_space<vmem>>, vector<16xf32>,
    %get3A_436 = vector.shape_cast %get3A_435 : vector<16xf32> to vector<16xf32>
    %neg3A_437 = arith.constant 0.000000e+00 : f32
    %neg3A_438 = vector.broadcast %neg3A_437 : f32 to vector<16xf32>
    %neg3A_439 = arith.subf %neg3A_438, %get3A_430 : vector<16xf32>
    %exp3A_440 = math.exp %neg3A_439 : vector<16xf32>
    %add3A_441 = arith.constant 1.000000e+00 : f32
    %add3A_442 = vector.broadcast %add3A_441 : f32 to vector<16xf32>
    %add3A_443 = arith.addf %add3A_442, %exp3A_440 : vector<16xf32>
    %div3A_444 = arith.constant 1.000000e+00 : f32
    %div3A_445 = vector.broadcast %div3A_444 : f32 to vector<16xf32>
    %div3A_446 = arith.divf %div3A_445, %add3A_443 : vector<16xf32>
    %div3A_447 = arith.divf %get3A_433, %get3A_10 : vector<16xf32>
    %mul3A_448 = arith.mulf %div3A_447, %get3A_436 : vector<16xf32>
    %mul3A_449 = arith.mulf %mul3A_448, %div3A_446 : vector<16xf32>
    %max3A_450 = arith.constant 1.000000e-01 : f32
    %max3A_451 = vector.broadcast %max3A_450 : f32 to vector<16xf32>
    %max3A_452 = arith.maximumf %mul3A_449, %max3A_451 : vector<16xf32>
    %min3A_453 = arith.constant 1.000000e+00 : f32
    %min3A_454 = vector.broadcast %min3A_453 : f32 to vector<16xf32>
    %min3A_455 = arith.minimumf %max3A_452, %min3A_454 : vector<16xf32>
    %sub3A_456 = arith.constant 3.000000e-01 : f32
    %sub3A_457 = vector.broadcast %sub3A_456 : f32 to vector<16xf32>
    %sub3A_458 = arith.subf %get3A_430, %sub3A_457 : vector<16xf32>
    %neg3A_459 = arith.constant 0.000000e+00 : f32
    %neg3A_460 = vector.broadcast %neg3A_459 : f32 to vector<16xf32>
    %neg3A_461 = arith.subf %neg3A_460, %sub3A_458 : vector<16xf32>
    %mul3A_462 = arith.constant 3.000000e+00 : f32
    %mul3A_463 = vector.broadcast %mul3A_462 : f32 to vector<16xf32>
    %mul3A_464 = arith.mulf %neg3A_461, %mul3A_463 : vector<16xf32>
    %exp3A_465 = math.exp %mul3A_464 : vector<16xf32>
    %add3A_466 = arith.constant 1.000000e+00 : f32
    %add3A_467 = vector.broadcast %add3A_466 : f32 to vector<16xf32>
    %add3A_468 = arith.addf %add3A_467, %exp3A_465 : vector<16xf32>
    %div3A_469 = arith.constant 1.000000e+00 : f32
    %div3A_470 = vector.broadcast %div3A_469 : f32 to vector<16xf32>
    %div3A_471 = arith.divf %div3A_470, %add3A_468 : vector<16xf32>
    %mul3A_472 = arith.mulf %div3A_471, %min3A_455 : vector<16xf32>
    %swap3A_473 = arith.constant 128 : index
    %swap3A_474 = tpu.vector_load %arg14[%swap3A_473] {strides = array<i32>} : memref<256xf32, #tpu.memory_space<vmem>>, vector<16xf32>,
    %swap3A_475 = vector.shape_cast %swap3A_474 : vector<16xf32> to vector<16xf32>
    %swap3A_476 = vector.shape_cast %min3A_455 : vector<16xf32> to vector<16xf32>
    tpu.vector_store %arg14[%swap3A_473], %swap3A_476 {strides = array<i32>} : memref<256xf32, #tpu.memory_space<vmem>>, vector<16xf32>,
    %swap3A_477 = arith.constant 128 : index
    %swap3A_478 = tpu.vector_load %arg15[%swap3A_477] {strides = array<i32>} : memref<256xf32, #tpu.memory_space<vmem>>, vector<16xf32>,
    %swap3A_479 = vector.shape_cast %swap3A_478 : vector<16xf32> to vector<16xf32>
    %swap3A_480 = vector.shape_cast %mul3A_472 : vector<16xf32> to vector<16xf32>
    tpu.vector_store %arg15[%swap3A_477], %swap3A_480 {strides = array<i32>} : memref<256xf32, #tpu.memory_space<vmem>>, vector<16xf32>,
    %get3A_481 = arith.constant 144 : index
    %get3A_482 = tpu.vector_load %arg10[%get3A_481] {strides = array<i32>} : memref<256xf32, #tpu.memory_space<vmem>>, vector<16xf32>,
    %get3A_483 = vector.shape_cast %get3A_482 : vector<16xf32> to vector<16xf32>
    %get3A_484 = arith.constant 144 : index
    %get3A_485 = tpu.vector_load %arg12[%get3A_484] {strides = array<i32>} : memref<256xf32, #tpu.memory_space<vmem>>, vector<16xf32>,
    %get3A_486 = vector.shape_cast %get3A_485 : vector<16xf32> to vector<16xf32>
    %get3A_487 = arith.constant 144 : index
    %get3A_488 = tpu.vector_load %arg13[%get3A_487] {strides = array<i32>} : memref<256xf32, #tpu.memory_space<vmem>>, vector<16xf32>,
    %get3A_489 = vector.shape_cast %get3A_488 : vector<16xf32> to vector<16xf32>
    %neg3A_490 = arith.constant 0.000000e+00 : f32
    %neg3A_491 = vector.broadcast %neg3A_490 : f32 to vector<16xf32>
    %neg3A_492 = arith.subf %neg3A_491, %get3A_483 : vector<16xf32>
    %exp3A_493 = math.exp %neg3A_492 : vector<16xf32>
    %add3A_494 = arith.constant 1.000000e+00 : f32
    %add3A_495 = vector.broadcast %add3A_494 : f32 to vector<16xf32>
    %add3A_496 = arith.addf %add3A_495, %exp3A_493 : vector<16xf32>
    %div3A_497 = arith.constant 1.000000e+00 : f32
    %div3A_498 = vector.broadcast %div3A_497 : f32 to vector<16xf32>
    %div3A_499 = arith.divf %div3A_498, %add3A_496 : vector<16xf32>
    %div3A_500 = arith.divf %get3A_486, %get3A_10 : vector<16xf32>
    %mul3A_501 = arith.mulf %div3A_500, %get3A_489 : vector<16xf32>
    %mul3A_502 = arith.mulf %mul3A_501, %div3A_499 : vector<16xf32>
    %max3A_503 = arith.constant 1.000000e-01 : f32
    %max3A_504 = vector.broadcast %max3A_503 : f32 to vector<16xf32>
    %max3A_505 = arith.maximumf %mul3A_502, %max3A_504 : vector<16xf32>
    %min3A_506 = arith.constant 1.000000e+00 : f32
    %min3A_507 = vector.broadcast %min3A_506 : f32 to vector<16xf32>
    %min3A_508 = arith.minimumf %max3A_505, %min3A_507 : vector<16xf32>
    %sub3A_509 = arith.constant 3.000000e-01 : f32
    %sub3A_510 = vector.broadcast %sub3A_509 : f32 to vector<16xf32>
    %sub3A_511 = arith.subf %get3A_483, %sub3A_510 : vector<16xf32>
    %neg3A_512 = arith.constant 0.000000e+00 : f32
    %neg3A_513 = vector.broadcast %neg3A_512 : f32 to vector<16xf32>
    %neg3A_514 = arith.subf %neg3A_513, %sub3A_511 : vector<16xf32>
    %mul3A_515 = arith.constant 3.000000e+00 : f32
    %mul3A_516 = vector.broadcast %mul3A_515 : f32 to vector<16xf32>
    %mul3A_517 = arith.mulf %neg3A_514, %mul3A_516 : vector<16xf32>
    %exp3A_518 = math.exp %mul3A_517 : vector<16xf32>
    %add3A_519 = arith.constant 1.000000e+00 : f32
    %add3A_520 = vector.broadcast %add3A_519 : f32 to vector<16xf32>
    %add3A_521 = arith.addf %add3A_520, %exp3A_518 : vector<16xf32>
    %div3A_522 = arith.constant 1.000000e+00 : f32
    %div3A_523 = vector.broadcast %div3A_522 : f32 to vector<16xf32>
    %div3A_524 = arith.divf %div3A_523, %add3A_521 : vector<16xf32>
    %mul3A_525 = arith.mulf %div3A_524, %min3A_508 : vector<16xf32>
    %swap3A_526 = arith.constant 144 : index
    %swap3A_527 = tpu.vector_load %arg14[%swap3A_526] {strides = array<i32>} : memref<256xf32, #tpu.memory_space<vmem>>, vector<16xf32>,
    %swap3A_528 = vector.shape_cast %swap3A_527 : vector<16xf32> to vector<16xf32>
    %swap3A_529 = vector.shape_cast %min3A_508 : vector<16xf32> to vector<16xf32>
    tpu.vector_store %arg14[%swap3A_526], %swap3A_529 {strides = array<i32>} : memref<256xf32, #tpu.memory_space<vmem>>, vector<16xf32>,
    %swap3A_530 = arith.constant 144 : index
    %swap3A_531 = tpu.vector_load %arg15[%swap3A_530] {strides = array<i32>} : memref<256xf32, #tpu.memory_space<vmem>>, vector<16xf32>,
    %swap3A_532 = vector.shape_cast %swap3A_531 : vector<16xf32> to vector<16xf32>
    %swap3A_533 = vector.shape_cast %mul3A_525 : vector<16xf32> to vector<16xf32>
    tpu.vector_store %arg15[%swap3A_530], %swap3A_533 {strides = array<i32>} : memref<256xf32, #tpu.memory_space<vmem>>, vector<16xf32>,
    %get3A_534 = arith.constant 160 : index
    %get3A_535 = tpu.vector_load %arg10[%get3A_534] {strides = array<i32>} : memref<256xf32, #tpu.memory_space<vmem>>, vector<16xf32>,
    %get3A_536 = vector.shape_cast %get3A_535 : vector<16xf32> to vector<16xf32>
    %get3A_537 = arith.constant 160 : index
    %get3A_538 = tpu.vector_load %arg12[%get3A_537] {strides = array<i32>} : memref<256xf32, #tpu.memory_space<vmem>>, vector<16xf32>,
    %get3A_539 = vector.shape_cast %get3A_538 : vector<16xf32> to vector<16xf32>
    %get3A_540 = arith.constant 160 : index
    %get3A_541 = tpu.vector_load %arg13[%get3A_540] {strides = array<i32>} : memref<256xf32, #tpu.memory_space<vmem>>, vector<16xf32>,
    %get3A_542 = vector.shape_cast %get3A_541 : vector<16xf32> to vector<16xf32>
    %neg3A_543 = arith.constant 0.000000e+00 : f32
    %neg3A_544 = vector.broadcast %neg3A_543 : f32 to vector<16xf32>
    %neg3A_545 = arith.subf %neg3A_544, %get3A_536 : vector<16xf32>
    %exp3A_546 = math.exp %neg3A_545 : vector<16xf32>
    %add3A_547 = arith.constant 1.000000e+00 : f32
    %add3A_548 = vector.broadcast %add3A_547 : f32 to vector<16xf32>
    %add3A_549 = arith.addf %add3A_548, %exp3A_546 : vector<16xf32>
    %div3A_550 = arith.constant 1.000000e+00 : f32
    %div3A_551 = vector.broadcast %div3A_550 : f32 to vector<16xf32>
    %div3A_552 = arith.divf %div3A_551, %add3A_549 : vector<16xf32>
    %div3A_553 = arith.divf %get3A_539, %get3A_10 : vector<16xf32>
    %mul3A_554 = arith.mulf %div3A_553, %get3A_542 : vector<16xf32>
    %mul3A_555 = arith.mulf %mul3A_554, %div3A_552 : vector<16xf32>
    %max3A_556 = arith.constant 1.000000e-01 : f32
    %max3A_557 = vector.broadcast %max3A_556 : f32 to vector<16xf32>
    %max3A_558 = arith.maximumf %mul3A_555, %max3A_557 : vector<16xf32>
    %min3A_559 = arith.constant 1.000000e+00 : f32
    %min3A_560 = vector.broadcast %min3A_559 : f32 to vector<16xf32>
    %min3A_561 = arith.minimumf %max3A_558, %min3A_560 : vector<16xf32>
    %sub3A_562 = arith.constant 3.000000e-01 : f32
    %sub3A_563 = vector.broadcast %sub3A_562 : f32 to vector<16xf32>
    %sub3A_564 = arith.subf %get3A_536, %sub3A_563 : vector<16xf32>
    %neg3A_565 = arith.constant 0.000000e+00 : f32
    %neg3A_566 = vector.broadcast %neg3A_565 : f32 to vector<16xf32>
    %neg3A_567 = arith.subf %neg3A_566, %sub3A_564 : vector<16xf32>
    %mul3A_568 = arith.constant 3.000000e+00 : f32
    %mul3A_569 = vector.broadcast %mul3A_568 : f32 to vector<16xf32>
    %mul3A_570 = arith.mulf %neg3A_567, %mul3A_569 : vector<16xf32>
    %exp3A_571 = math.exp %mul3A_570 : vector<16xf32>
    %add3A_572 = arith.constant 1.000000e+00 : f32
    %add3A_573 = vector.broadcast %add3A_572 : f32 to vector<16xf32>
    %add3A_574 = arith.addf %add3A_573, %exp3A_571 : vector<16xf32>
    %div3A_575 = arith.constant 1.000000e+00 : f32
    %div3A_576 = vector.broadcast %div3A_575 : f32 to vector<16xf32>
    %div3A_577 = arith.divf %div3A_576, %add3A_574 : vector<16xf32>
    %mul3A_578 = arith.mulf %div3A_577, %min3A_561 : vector<16xf32>
    %swap3A_579 = arith.constant 160 : index
    %swap3A_580 = tpu.vector_load %arg14[%swap3A_579] {strides = array<i32>} : memref<256xf32, #tpu.memory_space<vmem>>, vector<16xf32>,
    %swap3A_581 = vector.shape_cast %swap3A_580 : vector<16xf32> to vector<16xf32>
    %swap3A_582 = vector.shape_cast %min3A_561 : vector<16xf32> to vector<16xf32>
    tpu.vector_store %arg14[%swap3A_579], %swap3A_582 {strides = array<i32>} : memref<256xf32, #tpu.memory_space<vmem>>, vector<16xf32>,
    %swap3A_583 = arith.constant 160 : index
    %swap3A_584 = tpu.vector_load %arg15[%swap3A_583] {strides = array<i32>} : memref<256xf32, #tpu.memory_space<vmem>>, vector<16xf32>,
    %swap3A_585 = vector.shape_cast %swap3A_584 : vector<16xf32> to vector<16xf32>
    %swap3A_586 = vector.shape_cast %mul3A_578 : vector<16xf32> to vector<16xf32>
    tpu.vector_store %arg15[%swap3A_583], %swap3A_586 {strides = array<i32>} : memref<256xf32, #tpu.memory_space<vmem>>, vector<16xf32>,
    %get3A_587 = arith.constant 176 : index
    %get3A_588 = tpu.vector_load %arg10[%get3A_587] {strides = array<i32>} : memref<256xf32, #tpu.memory_space<vmem>>, vector<16xf32>,
    %get3A_589 = vector.shape_cast %get3A_588 : vector<16xf32> to vector<16xf32>
    %get3A_590 = arith.constant 176 : index
    %get3A_591 = tpu.vector_load %arg12[%get3A_590] {strides = array<i32>} : memref<256xf32, #tpu.memory_space<vmem>>, vector<16xf32>,
    %get3A_592 = vector.shape_cast %get3A_591 : vector<16xf32> to vector<16xf32>
    %get3A_593 = arith.constant 176 : index
    %get3A_594 = tpu.vector_load %arg13[%get3A_593] {strides = array<i32>} : memref<256xf32, #tpu.memory_space<vmem>>, vector<16xf32>,
    %get3A_595 = vector.shape_cast %get3A_594 : vector<16xf32> to vector<16xf32>
    %neg3A_596 = arith.constant 0.000000e+00 : f32
    %neg3A_597 = vector.broadcast %neg3A_596 : f32 to vector<16xf32>
    %neg3A_598 = arith.subf %neg3A_597, %get3A_589 : vector<16xf32>
    %exp3A_599 = math.exp %neg3A_598 : vector<16xf32>
    %add3A_600 = arith.constant 1.000000e+00 : f32
    %add3A_601 = vector.broadcast %add3A_600 : f32 to vector<16xf32>
    %add3A_602 = arith.addf %add3A_601, %exp3A_599 : vector<16xf32>
    %div3A_603 = arith.constant 1.000000e+00 : f32
    %div3A_604 = vector.broadcast %div3A_603 : f32 to vector<16xf32>
    %div3A_605 = arith.divf %div3A_604, %add3A_602 : vector<16xf32>
    %div3A_606 = arith.divf %get3A_592, %get3A_10 : vector<16xf32>
    %mul3A_607 = arith.mulf %div3A_606, %get3A_595 : vector<16xf32>
    %mul3A_608 = arith.mulf %mul3A_607, %div3A_605 : vector<16xf32>
    %max3A_609 = arith.constant 1.000000e-01 : f32
    %max3A_610 = vector.broadcast %max3A_609 : f32 to vector<16xf32>
    %max3A_611 = arith.maximumf %mul3A_608, %max3A_610 : vector<16xf32>
    %min3A_612 = arith.constant 1.000000e+00 : f32
    %min3A_613 = vector.broadcast %min3A_612 : f32 to vector<16xf32>
    %min3A_614 = arith.minimumf %max3A_611, %min3A_613 : vector<16xf32>
    %sub3A_615 = arith.constant 3.000000e-01 : f32
    %sub3A_616 = vector.broadcast %sub3A_615 : f32 to vector<16xf32>
    %sub3A_617 = arith.subf %get3A_589, %sub3A_616 : vector<16xf32>
    %neg3A_618 = arith.constant 0.000000e+00 : f32
    %neg3A_619 = vector.broadcast %neg3A_618 : f32 to vector<16xf32>
    %neg3A_620 = arith.subf %neg3A_619, %sub3A_617 : vector<16xf32>
    %mul3A_621 = arith.constant 3.000000e+00 : f32
    %mul3A_622 = vector.broadcast %mul3A_621 : f32 to vector<16xf32>
    %mul3A_623 = arith.mulf %neg3A_620, %mul3A_622 : vector<16xf32>
    %exp3A_624 = math.exp %mul3A_623 : vector<16xf32>
    %add3A_625 = arith.constant 1.000000e+00 : f32
    %add3A_626 = vector.broadcast %add3A_625 : f32 to vector<16xf32>
    %add3A_627 = arith.addf %add3A_626, %exp3A_624 : vector<16xf32>
    %div3A_628 = arith.constant 1.000000e+00 : f32
    %div3A_629 = vector.broadcast %div3A_628 : f32 to vector<16xf32>
    %div3A_630 = arith.divf %div3A_629, %add3A_627 : vector<16xf32>
    %mul3A_631 = arith.mulf %div3A_630, %min3A_614 : vector<16xf32>
    %swap3A_632 = arith.constant 176 : index
    %swap3A_633 = tpu.vector_load %arg14[%swap3A_632] {strides = array<i32>} : memref<256xf32, #tpu.memory_space<vmem>>, vector<16xf32>,
    %swap3A_634 = vector.shape_cast %swap3A_633 : vector<16xf32> to vector<16xf32>
    %swap3A_635 = vector.shape_cast %min3A_614 : vector<16xf32> to vector<16xf32>
    tpu.vector_store %arg14[%swap3A_632], %swap3A_635 {strides = array<i32>} : memref<256xf32, #tpu.memory_space<vmem>>, vector<16xf32>,
    %swap3A_636 = arith.constant 176 : index
    %swap3A_637 = tpu.vector_load %arg15[%swap3A_636] {strides = array<i32>} : memref<256xf32, #tpu.memory_space<vmem>>, vector<16xf32>,
    %swap3A_638 = vector.shape_cast %swap3A_637 : vector<16xf32> to vector<16xf32>
    %swap3A_639 = vector.shape_cast %mul3A_631 : vector<16xf32> to vector<16xf32>
    tpu.vector_store %arg15[%swap3A_636], %swap3A_639 {strides = array<i32>} : memref<256xf32, #tpu.memory_space<vmem>>, vector<16xf32>,
    %get3A_640 = arith.constant 192 : index
    %get3A_641 = tpu.vector_load %arg10[%get3A_640] {strides = array<i32>} : memref<256xf32, #tpu.memory_space<vmem>>, vector<16xf32>,
    %get3A_642 = vector.shape_cast %get3A_641 : vector<16xf32> to vector<16xf32>
    %get3A_643 = arith.constant 192 : index
    %get3A_644 = tpu.vector_load %arg12[%get3A_643] {strides = array<i32>} : memref<256xf32, #tpu.memory_space<vmem>>, vector<16xf32>,
    %get3A_645 = vector.shape_cast %get3A_644 : vector<16xf32> to vector<16xf32>
    %get3A_646 = arith.constant 192 : index
    %get3A_647 = tpu.vector_load %arg13[%get3A_646] {strides = array<i32>} : memref<256xf32, #tpu.memory_space<vmem>>, vector<16xf32>,
    %get3A_648 = vector.shape_cast %get3A_647 : vector<16xf32> to vector<16xf32>
    %neg3A_649 = arith.constant 0.000000e+00 : f32
    %neg3A_650 = vector.broadcast %neg3A_649 : f32 to vector<16xf32>
    %neg3A_651 = arith.subf %neg3A_650, %get3A_642 : vector<16xf32>
    %exp3A_652 = math.exp %neg3A_651 : vector<16xf32>
    %add3A_653 = arith.constant 1.000000e+00 : f32
    %add3A_654 = vector.broadcast %add3A_653 : f32 to vector<16xf32>
    %add3A_655 = arith.addf %add3A_654, %exp3A_652 : vector<16xf32>
    %div3A_656 = arith.constant 1.000000e+00 : f32
    %div3A_657 = vector.broadcast %div3A_656 : f32 to vector<16xf32>
    %div3A_658 = arith.divf %div3A_657, %add3A_655 : vector<16xf32>
    %div3A_659 = arith.divf %get3A_645, %get3A_10 : vector<16xf32>
    %mul3A_660 = arith.mulf %div3A_659, %get3A_648 : vector<16xf32>
    %mul3A_661 = arith.mulf %mul3A_660, %div3A_658 : vector<16xf32>
    %max3A_662 = arith.constant 1.000000e-01 : f32
    %max3A_663 = vector.broadcast %max3A_662 : f32 to vector<16xf32>
    %max3A_664 = arith.maximumf %mul3A_661, %max3A_663 : vector<16xf32>
    %min3A_665 = arith.constant 1.000000e+00 : f32
    %min3A_666 = vector.broadcast %min3A_665 : f32 to vector<16xf32>
    %min3A_667 = arith.minimumf %max3A_664, %min3A_666 : vector<16xf32>
    %sub3A_668 = arith.constant 3.000000e-01 : f32
    %sub3A_669 = vector.broadcast %sub3A_668 : f32 to vector<16xf32>
    %sub3A_670 = arith.subf %get3A_642, %sub3A_669 : vector<16xf32>
    %neg3A_671 = arith.constant 0.000000e+00 : f32
    %neg3A_672 = vector.broadcast %neg3A_671 : f32 to vector<16xf32>
    %neg3A_673 = arith.subf %neg3A_672, %sub3A_670 : vector<16xf32>
    %mul3A_674 = arith.constant 3.000000e+00 : f32
    %mul3A_675 = vector.broadcast %mul3A_674 : f32 to vector<16xf32>
    %mul3A_676 = arith.mulf %neg3A_673, %mul3A_675 : vector<16xf32>
    %exp3A_677 = math.exp %mul3A_676 : vector<16xf32>
    %add3A_678 = arith.constant 1.000000e+00 : f32
    %add3A_679 = vector.broadcast %add3A_678 : f32 to vector<16xf32>
    %add3A_680 = arith.addf %add3A_679, %exp3A_677 : vector<16xf32>
    %div3A_681 = arith.constant 1.000000e+00 : f32
    %div3A_682 = vector.broadcast %div3A_681 : f32 to vector<16xf32>
    %div3A_683 = arith.divf %div3A_682, %add3A_680 : vector<16xf32>
    %mul3A_684 = arith.mulf %div3A_683, %min3A_667 : vector<16xf32>
    %swap3A_685 = arith.constant 192 : index
    %swap3A_686 = tpu.vector_load %arg14[%swap3A_685] {strides = array<i32>} : memref<256xf32, #tpu.memory_space<vmem>>, vector<16xf32>,
    %swap3A_687 = vector.shape_cast %swap3A_686 : vector<16xf32> to vector<16xf32>
    %swap3A_688 = vector.shape_cast %min3A_667 : vector<16xf32> to vector<16xf32>
    tpu.vector_store %arg14[%swap3A_685], %swap3A_688 {strides = array<i32>} : memref<256xf32, #tpu.memory_space<vmem>>, vector<16xf32>,
    %swap3A_689 = arith.constant 192 : index
    %swap3A_690 = tpu.vector_load %arg15[%swap3A_689] {strides = array<i32>} : memref<256xf32, #tpu.memory_space<vmem>>, vector<16xf32>,
    %swap3A_691 = vector.shape_cast %swap3A_690 : vector<16xf32> to vector<16xf32>
    %swap3A_692 = vector.shape_cast %mul3A_684 : vector<16xf32> to vector<16xf32>
    tpu.vector_store %arg15[%swap3A_689], %swap3A_692 {strides = array<i32>} : memref<256xf32, #tpu.memory_space<vmem>>, vector<16xf32>,
    %get3A_693 = arith.constant 208 : index
    %get3A_694 = tpu.vector_load %arg10[%get3A_693] {strides = array<i32>} : memref<256xf32, #tpu.memory_space<vmem>>, vector<16xf32>,
    %get3A_695 = vector.shape_cast %get3A_694 : vector<16xf32> to vector<16xf32>
    %get3A_696 = arith.constant 208 : index
    %get3A_697 = tpu.vector_load %arg12[%get3A_696] {strides = array<i32>} : memref<256xf32, #tpu.memory_space<vmem>>, vector<16xf32>,
    %get3A_698 = vector.shape_cast %get3A_697 : vector<16xf32> to vector<16xf32>
    %get3A_699 = arith.constant 208 : index
    %get3A_700 = tpu.vector_load %arg13[%get3A_699] {strides = array<i32>} : memref<256xf32, #tpu.memory_space<vmem>>, vector<16xf32>,
    %get3A_701 = vector.shape_cast %get3A_700 : vector<16xf32> to vector<16xf32>
    %neg3A_702 = arith.constant 0.000000e+00 : f32
    %neg3A_703 = vector.broadcast %neg3A_702 : f32 to vector<16xf32>
    %neg3A_704 = arith.subf %neg3A_703, %get3A_695 : vector<16xf32>
    %exp3A_705 = math.exp %neg3A_704 : vector<16xf32>
    %add3A_706 = arith.constant 1.000000e+00 : f32
    %add3A_707 = vector.broadcast %add3A_706 : f32 to vector<16xf32>
    %add3A_708 = arith.addf %add3A_707, %exp3A_705 : vector<16xf32>
    %div3A_709 = arith.constant 1.000000e+00 : f32
    %div3A_710 = vector.broadcast %div3A_709 : f32 to vector<16xf32>
    %div3A_711 = arith.divf %div3A_710, %add3A_708 : vector<16xf32>
    %div3A_712 = arith.divf %get3A_698, %get3A_10 : vector<16xf32>
    %mul3A_713 = arith.mulf %div3A_712, %get3A_701 : vector<16xf32>
    %mul3A_714 = arith.mulf %mul3A_713, %div3A_711 : vector<16xf32>
    %max3A_715 = arith.constant 1.000000e-01 : f32
    %max3A_716 = vector.broadcast %max3A_715 : f32 to vector<16xf32>
    %max3A_717 = arith.maximumf %mul3A_714, %max3A_716 : vector<16xf32>
    %min3A_718 = arith.constant 1.000000e+00 : f32
    %min3A_719 = vector.broadcast %min3A_718 : f32 to vector<16xf32>
    %min3A_720 = arith.minimumf %max3A_717, %min3A_719 : vector<16xf32>
    %sub3A_721 = arith.constant 3.000000e-01 : f32
    %sub3A_722 = vector.broadcast %sub3A_721 : f32 to vector<16xf32>
    %sub3A_723 = arith.subf %get3A_695, %sub3A_722 : vector<16xf32>
    %neg3A_724 = arith.constant 0.000000e+00 : f32
    %neg3A_725 = vector.broadcast %neg3A_724 : f32 to vector<16xf32>
    %neg3A_726 = arith.subf %neg3A_725, %sub3A_723 : vector<16xf32>
    %mul3A_727 = arith.constant 3.000000e+00 : f32
    %mul3A_728 = vector.broadcast %mul3A_727 : f32 to vector<16xf32>
    %mul3A_729 = arith.mulf %neg3A_726, %mul3A_728 : vector<16xf32>
    %exp3A_730 = math.exp %mul3A_729 : vector<16xf32>
    %add3A_731 = arith.constant 1.000000e+00 : f32
    %add3A_732 = vector.broadcast %add3A_731 : f32 to vector<16xf32>
    %add3A_733 = arith.addf %add3A_732, %exp3A_730 : vector<16xf32>
    %div3A_734 = arith.constant 1.000000e+00 : f32
    %div3A_735 = vector.broadcast %div3A_734 : f32 to vector<16xf32>
    %div3A_736 = arith.divf %div3A_735, %add3A_733 : vector<16xf32>
    %mul3A_737 = arith.mulf %div3A_736, %min3A_720 : vector<16xf32>
    %swap3A_738 = arith.constant 208 : index
    %swap3A_739 = tpu.vector_load %arg14[%swap3A_738] {strides = array<i32>} : memref<256xf32, #tpu.memory_space<vmem>>, vector<16xf32>,
    %swap3A_740 = vector.shape_cast %swap3A_739 : vector<16xf32> to vector<16xf32>
    %swap3A_741 = vector.shape_cast %min3A_720 : vector<16xf32> to vector<16xf32>
    tpu.vector_store %arg14[%swap3A_738], %swap3A_741 {strides = array<i32>} : memref<256xf32, #tpu.memory_space<vmem>>, vector<16xf32>,
    %swap3A_742 = arith.constant 208 : index
    %swap3A_743 = tpu.vector_load %arg15[%swap3A_742] {strides = array<i32>} : memref<256xf32, #tpu.memory_space<vmem>>, vector<16xf32>,
    %swap3A_744 = vector.shape_cast %swap3A_743 : vector<16xf32> to vector<16xf32>
    %swap3A_745 = vector.shape_cast %mul3A_737 : vector<16xf32> to vector<16xf32>
    tpu.vector_store %arg15[%swap3A_742], %swap3A_745 {strides = array<i32>} : memref<256xf32, #tpu.memory_space<vmem>>, vector<16xf32>,
    %get3A_746 = arith.constant 224 : index
    %get3A_747 = tpu.vector_load %arg10[%get3A_746] {strides = array<i32>} : memref<256xf32, #tpu.memory_space<vmem>>, vector<16xf32>,
    %get3A_748 = vector.shape_cast %get3A_747 : vector<16xf32> to vector<16xf32>
    %get3A_749 = arith.constant 224 : index
    %get3A_750 = tpu.vector_load %arg12[%get3A_749] {strides = array<i32>} : memref<256xf32, #tpu.memory_space<vmem>>, vector<16xf32>,
    %get3A_751 = vector.shape_cast %get3A_750 : vector<16xf32> to vector<16xf32>
    %get3A_752 = arith.constant 224 : index
    %get3A_753 = tpu.vector_load %arg13[%get3A_752] {strides = array<i32>} : memref<256xf32, #tpu.memory_space<vmem>>, vector<16xf32>,
    %get3A_754 = vector.shape_cast %get3A_753 : vector<16xf32> to vector<16xf32>
    %neg3A_755 = arith.constant 0.000000e+00 : f32
    %neg3A_756 = vector.broadcast %neg3A_755 : f32 to vector<16xf32>
    %neg3A_757 = arith.subf %neg3A_756, %get3A_748 : vector<16xf32>
    %exp3A_758 = math.exp %neg3A_757 : vector<16xf32>
    %add3A_759 = arith.constant 1.000000e+00 : f32
    %add3A_760 = vector.broadcast %add3A_759 : f32 to vector<16xf32>
    %add3A_761 = arith.addf %add3A_760, %exp3A_758 : vector<16xf32>
    %div3A_762 = arith.constant 1.000000e+00 : f32
    %div3A_763 = vector.broadcast %div3A_762 : f32 to vector<16xf32>
    %div3A_764 = arith.divf %div3A_763, %add3A_761 : vector<16xf32>
    %div3A_765 = arith.divf %get3A_751, %get3A_10 : vector<16xf32>
    %mul3A_766 = arith.mulf %div3A_765, %get3A_754 : vector<16xf32>
    %mul3A_767 = arith.mulf %mul3A_766, %div3A_764 : vector<16xf32>
    %max3A_768 = arith.constant 1.000000e-01 : f32
    %max3A_769 = vector.broadcast %max3A_768 : f32 to vector<16xf32>
    %max3A_770 = arith.maximumf %mul3A_767, %max3A_769 : vector<16xf32>
    %min3A_771 = arith.constant 1.000000e+00 : f32
    %min3A_772 = vector.broadcast %min3A_771 : f32 to vector<16xf32>
    %min3A_773 = arith.minimumf %max3A_770, %min3A_772 : vector<16xf32>
    %sub3A_774 = arith.constant 3.000000e-01 : f32
    %sub3A_775 = vector.broadcast %sub3A_774 : f32 to vector<16xf32>
    %sub3A_776 = arith.subf %get3A_748, %sub3A_775 : vector<16xf32>
    %neg3A_777 = arith.constant 0.000000e+00 : f32
    %neg3A_778 = vector.broadcast %neg3A_777 : f32 to vector<16xf32>
    %neg3A_779 = arith.subf %neg3A_778, %sub3A_776 : vector<16xf32>
    %mul3A_780 = arith.constant 3.000000e+00 : f32
    %mul3A_781 = vector.broadcast %mul3A_780 : f32 to vector<16xf32>
    %mul3A_782 = arith.mulf %neg3A_779, %mul3A_781 : vector<16xf32>
    %exp3A_783 = math.exp %mul3A_782 : vector<16xf32>
    %add3A_784 = arith.constant 1.000000e+00 : f32
    %add3A_785 = vector.broadcast %add3A_784 : f32 to vector<16xf32>
    %add3A_786 = arith.addf %add3A_785, %exp3A_783 : vector<16xf32>
    %div3A_787 = arith.constant 1.000000e+00 : f32
    %div3A_788 = vector.broadcast %div3A_787 : f32 to vector<16xf32>
    %div3A_789 = arith.divf %div3A_788, %add3A_786 : vector<16xf32>
    %mul3A_790 = arith.mulf %div3A_789, %min3A_773 : vector<16xf32>
    %swap3A_791 = arith.constant 224 : index
    %swap3A_792 = tpu.vector_load %arg14[%swap3A_791] {strides = array<i32>} : memref<256xf32, #tpu.memory_space<vmem>>, vector<16xf32>,
    %swap3A_793 = vector.shape_cast %swap3A_792 : vector<16xf32> to vector<16xf32>
    %swap3A_794 = vector.shape_cast %min3A_773 : vector<16xf32> to vector<16xf32>
    tpu.vector_store %arg14[%swap3A_791], %swap3A_794 {strides = array<i32>} : memref<256xf32, #tpu.memory_space<vmem>>, vector<16xf32>,
    %swap3A_795 = arith.constant 224 : index
    %swap3A_796 = tpu.vector_load %arg15[%swap3A_795] {strides = array<i32>} : memref<256xf32, #tpu.memory_space<vmem>>, vector<16xf32>,
    %swap3A_797 = vector.shape_cast %swap3A_796 : vector<16xf32> to vector<16xf32>
    %swap3A_798 = vector.shape_cast %mul3A_790 : vector<16xf32> to vector<16xf32>
    tpu.vector_store %arg15[%swap3A_795], %swap3A_798 {strides = array<i32>} : memref<256xf32, #tpu.memory_space<vmem>>, vector<16xf32>,
    %get3A_799 = arith.constant 240 : index
    %get3A_800 = tpu.vector_load %arg10[%get3A_799] {strides = array<i32>} : memref<256xf32, #tpu.memory_space<vmem>>, vector<16xf32>,
    %get3A_801 = vector.shape_cast %get3A_800 : vector<16xf32> to vector<16xf32>
    %get3A_802 = arith.constant 240 : index
    %get3A_803 = tpu.vector_load %arg12[%get3A_802] {strides = array<i32>} : memref<256xf32, #tpu.memory_space<vmem>>, vector<16xf32>,
    %get3A_804 = vector.shape_cast %get3A_803 : vector<16xf32> to vector<16xf32>
    %get3A_805 = arith.constant 240 : index
    %get3A_806 = tpu.vector_load %arg13[%get3A_805] {strides = array<i32>} : memref<256xf32, #tpu.memory_space<vmem>>, vector<16xf32>,
    %get3A_807 = vector.shape_cast %get3A_806 : vector<16xf32> to vector<16xf32>
    %neg3A_808 = arith.constant 0.000000e+00 : f32
    %neg3A_809 = vector.broadcast %neg3A_808 : f32 to vector<16xf32>
    %neg3A_810 = arith.subf %neg3A_809, %get3A_801 : vector<16xf32>
    %exp3A_811 = math.exp %neg3A_810 : vector<16xf32>
    %add3A_812 = arith.constant 1.000000e+00 : f32
    %add3A_813 = vector.broadcast %add3A_812 : f32 to vector<16xf32>
    %add3A_814 = arith.addf %add3A_813, %exp3A_811 : vector<16xf32>
    %div3A_815 = arith.constant 1.000000e+00 : f32
    %div3A_816 = vector.broadcast %div3A_815 : f32 to vector<16xf32>
    %div3A_817 = arith.divf %div3A_816, %add3A_814 : vector<16xf32>
    %div3A_818 = arith.divf %get3A_804, %get3A_10 : vector<16xf32>
    %mul3A_819 = arith.mulf %div3A_818, %get3A_807 : vector<16xf32>
    %mul3A_820 = arith.mulf %mul3A_819, %div3A_817 : vector<16xf32>
    %max3A_821 = arith.constant 1.000000e-01 : f32
    %max3A_822 = vector.broadcast %max3A_821 : f32 to vector<16xf32>
    %max3A_823 = arith.maximumf %mul3A_820, %max3A_822 : vector<16xf32>
    %min3A_824 = arith.constant 1.000000e+00 : f32
    %min3A_825 = vector.broadcast %min3A_824 : f32 to vector<16xf32>
    %min3A_826 = arith.minimumf %max3A_823, %min3A_825 : vector<16xf32>
    %sub3A_827 = arith.constant 3.000000e-01 : f32
    %sub3A_828 = vector.broadcast %sub3A_827 : f32 to vector<16xf32>
    %sub3A_829 = arith.subf %get3A_801, %sub3A_828 : vector<16xf32>
    %neg3A_830 = arith.constant 0.000000e+00 : f32
    %neg3A_831 = vector.broadcast %neg3A_830 : f32 to vector<16xf32>
    %neg3A_832 = arith.subf %neg3A_831, %sub3A_829 : vector<16xf32>
    %mul3A_833 = arith.constant 3.000000e+00 : f32
    %mul3A_834 = vector.broadcast %mul3A_833 : f32 to vector<16xf32>
    %mul3A_835 = arith.mulf %neg3A_832, %mul3A_834 : vector<16xf32>
    %exp3A_836 = math.exp %mul3A_835 : vector<16xf32>
    %add3A_837 = arith.constant 1.000000e+00 : f32
    %add3A_838 = vector.broadcast %add3A_837 : f32 to vector<16xf32>
    %add3A_839 = arith.addf %add3A_838, %exp3A_836 : vector<16xf32>
    %div3A_840 = arith.constant 1.000000e+00 : f32
    %div3A_841 = vector.broadcast %div3A_840 : f32 to vector<16xf32>
    %div3A_842 = arith.divf %div3A_841, %add3A_839 : vector<16xf32>
    %mul3A_843 = arith.mulf %div3A_842, %min3A_826 : vector<16xf32>
    %swap3A_844 = arith.constant 240 : index
    %swap3A_845 = tpu.vector_load %arg14[%swap3A_844] {strides = array<i32>} : memref<256xf32, #tpu.memory_space<vmem>>, vector<16xf32>,
    %swap3A_846 = vector.shape_cast %swap3A_845 : vector<16xf32> to vector<16xf32>
    %swap3A_847 = vector.shape_cast %min3A_826 : vector<16xf32> to vector<16xf32>
    tpu.vector_store %arg14[%swap3A_844], %swap3A_847 {strides = array<i32>} : memref<256xf32, #tpu.memory_space<vmem>>, vector<16xf32>,
    %swap3A_848 = arith.constant 240 : index
    %swap3A_849 = tpu.vector_load %arg15[%swap3A_848] {strides = array<i32>} : memref<256xf32, #tpu.memory_space<vmem>>, vector<16xf32>,
    %swap3A_850 = vector.shape_cast %swap3A_849 : vector<16xf32> to vector<16xf32>
    %swap3A_851 = vector.shape_cast %mul3A_843 : vector<16xf32> to vector<16xf32>
    tpu.vector_store %arg15[%swap3A_848], %swap3A_851 {strides = array<i32>} : memref<256xf32, #tpu.memory_space<vmem>>, vector<16xf32>,
    "tpu.region"() ({
      %run_scoped3A = tpu.sem_alloc : memref<!tpu.dma_semaphore, #tpu.memory_space<semaphore_mem>>
      %dma_start3A_852 = tpu.memref_slice %arg7[%mul3A_2] : memref<8192xf32, #tpu.memory_space<hbm>> -> memref<256xf32, #tpu.memory_space<hbm>>
      %dma_start3A_853 = tpu.memref_slice %arg7[%mul3A_2] : memref<8192xf32, #tpu.memory_space<hbm>> -> memref<256xf32, #tpu.memory_space<hbm>>
      tpu.enqueue_dma source(%arg14 : memref<256xf32, #tpu.memory_space<vmem>>) target(%dma_start3A_853 : memref<256xf32, #tpu.memory_space<hbm>>) target_semaphore(%run_scoped3A : memref<!tpu.dma_semaphore, #tpu.memory_space<semaphore_mem>>)
      %dma_wait3A_854 = tpu.memref_slice %arg7[%mul3A_2] : memref<8192xf32, #tpu.memory_space<hbm>> -> memref<256xf32, #tpu.memory_space<hbm>>
      %dma_wait3A_855 = tpu.memref_slice %arg7[%mul3A_2] : memref<8192xf32, #tpu.memory_space<hbm>> -> memref<256xf32, #tpu.memory_space<hbm>>
      tpu.wait_dma2 semaphore(%run_scoped3A : memref<!tpu.dma_semaphore, #tpu.memory_space<semaphore_mem>>) src(%arg14 : memref<256xf32, #tpu.memory_space<vmem>>) dst(%dma_wait3A_855 : memref<256xf32, #tpu.memory_space<hbm>>)
      tpu.yield
    }) : () -> ()
    "tpu.region"() ({
      %run_scoped3A = tpu.sem_alloc : memref<!tpu.dma_semaphore, #tpu.memory_space<semaphore_mem>>
      %dma_start3A_852 = tpu.memref_slice %arg8[%mul3A_2] : memref<8192xf32, #tpu.memory_space<hbm>> -> memref<256xf32, #tpu.memory_space<hbm>>
      %dma_start3A_853 = tpu.memref_slice %arg8[%mul3A_2] : memref<8192xf32, #tpu.memory_space<hbm>> -> memref<256xf32, #tpu.memory_space<hbm>>
      tpu.enqueue_dma source(%arg15 : memref<256xf32, #tpu.memory_space<vmem>>) target(%dma_start3A_853 : memref<256xf32, #tpu.memory_space<hbm>>) target_semaphore(%run_scoped3A : memref<!tpu.dma_semaphore, #tpu.memory_space<semaphore_mem>>)
      %dma_wait3A_854 = tpu.memref_slice %arg8[%mul3A_2] : memref<8192xf32, #tpu.memory_space<hbm>> -> memref<256xf32, #tpu.memory_space<hbm>>
      %dma_wait3A_855 = tpu.memref_slice %arg8[%mul3A_2] : memref<8192xf32, #tpu.memory_space<hbm>> -> memref<256xf32, #tpu.memory_space<hbm>>
      tpu.wait_dma2 semaphore(%run_scoped3A : memref<!tpu.dma_semaphore, #tpu.memory_space<semaphore_mem>>) src(%arg15 : memref<256xf32, #tpu.memory_space<vmem>>) dst(%dma_wait3A_855 : memref<256xf32, #tpu.memory_space<hbm>>)
      tpu.yield
    }) : () -> ()
    return
  }
}

module attributes {stable_mosaic.version = 14 : i64} {
  func.func @_sim_kernel(%arg0: i32, %arg1: i32, %arg2: memref<1x4xf32, #tpu.memory_space<smem>>, %arg3: memref<1024x256xf32, #tpu.memory_space<vmem>>, %arg4: memref<2048x256xf32, #tpu.memory_space<vmem>>, %arg5: memref<256x1xf32, #tpu.memory_space<vmem>>, %arg6: memref<1024x2048xf32, #tpu.memory_space<vmem>>, %arg7: memref<1024x1xf32, #tpu.memory_space<vmem>>, %arg8: memref<1024x1xi32, #tpu.memory_space<vmem>>, %arg9: memref<1024x1xf32, #tpu.memory_space<vmem>>, %arg10: memref<1024x1xf32, #tpu.memory_space<vmem>>, %arg11: memref<1024x1xf32, #tpu.memory_space<vmem>>, %arg12: memref<1024x1xi32, #tpu.memory_space<vmem>>, %arg13: memref<1024x1xf32, #tpu.memory_space<vmem>>) attributes {dimension_semantics = [#tpu.dimension_semantics<arbitrary>, #tpu.dimension_semantics<arbitrary>], iteration_bounds = array<i64: 8, 4>, scalar_prefetch = 0 : i64, scratch_operands = 4 : i64, tpu.core_type = #tpu.core_type<tc>, window_params = [{transform_indices = @transform_0, window_bounds = array<i64: 1, 4>}, {transform_indices = @transform_1, window_bounds = array<i64: 1024, 256>}, {transform_indices = @transform_2, window_bounds = array<i64: 2048, 256>}, {pipeline_mode = #tpu.pipeline_mode<synchronous>, transform_indices = @transform_3, window_bounds = array<i64: 256, 1>}, {transform_indices = @transform_4, window_bounds = array<i64: 1024, 2048>}, {transform_indices = @transform_5, window_bounds = array<i64: 1024, 1>}, {transform_indices = @transform_6, window_bounds = array<i64: 1024, 1>}, {transform_indices = @transform_7, window_bounds = array<i64: 1024, 1>}]} {
    %get3A = arith.constant 0 : index
    %get3A_0 = arith.constant 2 : index
    %get3A_1 = memref.load %arg2[%get3A, %get3A_0] : memref<1x4xf32, #tpu.memory_space<smem>>
    %get3A_2 = arith.constant 0 : index
    %get3A_3 = arith.constant 0 : index
    %get3A_4 = vector.load %arg3[%get3A_2, %get3A_3] : memref<1024x256xf32, #tpu.memory_space<vmem>>, vector<1024x256xf32>
    %get3A_5 = arith.constant 0 : index
    %get3A_6 = arith.constant 0 : index
    %get3A_7 = vector.load %arg4[%get3A_5, %get3A_6] : memref<2048x256xf32, #tpu.memory_space<vmem>>, vector<2048x256xf32>
    %dot_general3A = arith.constant dense<0.000000e+00> : vector<1024x2048xf32>
    %dot_general3A_8 = tpu.matmul %get3A_4, %get3A_7, %dot_general3A {dimension_numbers = #tpu.dot_dimension_numbers<[1], [1], [0], [0], [0, 0, 1, 0], [], []>, transpose_lhs_hint = false} : vector<1024x256xf32>, vector<2048x256xf32>, vector<1024x2048xf32> -> vector<1024x2048xf32>
    %mul3A = vector.broadcast %get3A_1 : f32 to vector<1024x2048xf32>
    %mul3A_9 = arith.mulf %dot_general3A_8, %mul3A : vector<1024x2048xf32>
    %swap3A = arith.constant 0 : index
    %swap3A_10 = arith.constant 0 : index
    %swap3A_11 = vector.load %arg6[%swap3A, %swap3A_10] : memref<1024x2048xf32, #tpu.memory_space<vmem>>, vector<1024x2048xf32>
    tpu.vector_store %arg6[%swap3A, %swap3A_10], %mul3A_9 {strides = array<i32>} : memref<1024x2048xf32, #tpu.memory_space<vmem>>, vector<1024x2048xf32>,
    %reduce_max3A = arith.constant dense<0xFF800000> : vector<1024xf32>
    %reduce_max3A_12 = vector.multi_reduction <maximumf>, %mul3A_9, %reduce_max3A [1] : vector<1024x2048xf32> to vector<1024xf32>
    %broadcast_in_dim3A = vector.shape_cast %reduce_max3A_12 : vector<1024xf32> to vector<1024x1xf32>
    %eq3A = arith.constant 0 : i32
    %eq3A_13 = arith.cmpi eq, %arg1, %eq3A : i32
    %convert_element_type3A = arith.extui %eq3A_13 : i1 to i32
    %cond3A = arith.constant 0 : i32
    %cond3A_14 = arith.cmpi ne, %convert_element_type3A, %cond3A : i32
    scf.if %cond3A_14 {
      %broadcast_in_dim3A_98 = arith.constant -1.000000e+30 : f32
      %broadcast_in_dim3A_99 = vector.broadcast %broadcast_in_dim3A_98 : f32 to vector<1024x1xf32>
      %swap3A_100 = arith.constant 0 : index
      %swap3A_101 = arith.constant 0 : index
      %swap3A_102 = vector.load %arg10[%swap3A_100, %swap3A_101] : memref<1024x1xf32, #tpu.memory_space<vmem>>, vector<1024x1xf32>
      tpu.vector_store %arg10[%swap3A_100, %swap3A_101], %broadcast_in_dim3A_99 {strides = array<i32>} : memref<1024x1xf32, #tpu.memory_space<vmem>>, vector<1024x1xf32>,
      %broadcast_in_dim3A_103 = arith.constant 0.000000e+00 : f32
      %broadcast_in_dim3A_104 = vector.broadcast %broadcast_in_dim3A_103 : f32 to vector<1024x1xf32>
      %swap3A_105 = arith.constant 0 : index
      %swap3A_106 = arith.constant 0 : index
      %swap3A_107 = vector.load %arg11[%swap3A_105, %swap3A_106] : memref<1024x1xf32, #tpu.memory_space<vmem>>, vector<1024x1xf32>
      tpu.vector_store %arg11[%swap3A_105, %swap3A_106], %broadcast_in_dim3A_104 {strides = array<i32>} : memref<1024x1xf32, #tpu.memory_space<vmem>>, vector<1024x1xf32>,
      %broadcast_in_dim3A_108 = arith.constant 0 : i32
      %broadcast_in_dim3A_109 = vector.broadcast %broadcast_in_dim3A_108 : i32 to vector<1024x1xi32>
      %swap3A_110 = arith.constant 0 : index
      %swap3A_111 = arith.constant 0 : index
      %swap3A_112 = vector.load %arg12[%swap3A_110, %swap3A_111] : memref<1024x1xi32, #tpu.memory_space<vmem>>, vector<1024x1xi32>
      tpu.vector_store %arg12[%swap3A_110, %swap3A_111], %broadcast_in_dim3A_109 {strides = array<i32>} : memref<1024x1xi32, #tpu.memory_space<vmem>>, vector<1024x1xi32>,
      %get3A_113 = arith.constant 0 : index
      %get3A_114 = arith.constant 0 : index
      %get3A_115 = vector.load %arg3[%get3A_113, %get3A_114] : memref<1024x256xf32, #tpu.memory_space<vmem>>, vector<1024x256xf32>
      %get3A_116 = arith.constant 0 : index
      %get3A_117 = arith.constant 0 : index
      %get3A_118 = vector.load %arg5[%get3A_116, %get3A_117] : memref<256x1xf32, #tpu.memory_space<vmem>>, vector<256x1xf32>
      %dot_general3A_119 = arith.constant dense<0.000000e+00> : vector<1024x1xf32>
      %dot_general3A_120 = tpu.matmul %get3A_115, %get3A_118, %dot_general3A_119 {dimension_numbers = #tpu.dot_dimension_numbers<[1], [0], [0], [1], [0, 0, 1, 1], [], []>, transpose_lhs_hint = false} : vector<1024x256xf32>, vector<256x1xf32>, vector<1024x1xf32> -> vector<1024x1xf32>
      %mul3A_121 = vector.broadcast %get3A_1 : f32 to vector<1024x1xf32>
      %mul3A_122 = arith.mulf %dot_general3A_120, %mul3A_121 : vector<1024x1xf32>
      %swap3A_123 = arith.constant 0 : index
      %swap3A_124 = arith.constant 0 : index
      %swap3A_125 = vector.load %arg13[%swap3A_123, %swap3A_124] : memref<1024x1xf32, #tpu.memory_space<vmem>>, vector<1024x1xf32>
      tpu.vector_store %arg13[%swap3A_123, %swap3A_124], %mul3A_122 {strides = array<i32>} : memref<1024x1xf32, #tpu.memory_space<vmem>>, vector<1024x1xf32>,
    } else {
    }
    %mul3A_15 = arith.constant 2.000000e+00 : f32
    %mul3A_16 = vector.broadcast %mul3A_15 : f32 to vector<1024x2048xf32>
    %mul3A_17 = arith.mulf %mul3A_16, %mul3A_9 : vector<1024x2048xf32>
    %exp3A = math.exp %mul3A_17 : vector<1024x2048xf32>
    %get3A_18 = arith.constant 0 : index
    %get3A_19 = arith.constant 0 : index
    %get3A_20 = vector.load %arg11[%get3A_18, %get3A_19] : memref<1024x1xf32, #tpu.memory_space<vmem>>, vector<1024x1xf32>
    %reduce_sum3A = arith.constant dense<0.000000e+00> : vector<1024xf32>
    %reduce_sum3A_21 = vector.multi_reduction <add>, %exp3A, %reduce_sum3A [1] : vector<1024x2048xf32> to vector<1024xf32>
    %broadcast_in_dim3A_22 = vector.shape_cast %reduce_sum3A_21 : vector<1024xf32> to vector<1024x1xf32>
    %add3A = arith.addf %get3A_20, %broadcast_in_dim3A_22 : vector<1024x1xf32>
    %swap3A_23 = arith.constant 0 : index
    %swap3A_24 = arith.constant 0 : index
    %swap3A_25 = vector.load %arg11[%swap3A_23, %swap3A_24] : memref<1024x1xf32, #tpu.memory_space<vmem>>, vector<1024x1xf32>
    tpu.vector_store %arg11[%swap3A_23, %swap3A_24], %add3A {strides = array<i32>} : memref<1024x1xf32, #tpu.memory_space<vmem>>, vector<1024x1xf32>,
    %eq3A_26 = vector.broadcast %broadcast_in_dim3A : vector<1024x1xf32> to vector<1024x2048xf32>
    %eq3A_27 = arith.cmpf oeq, %mul3A_9, %eq3A_26 : vector<1024x2048xf32>
    %jit3A = arith.constant 1.000000e+00 : f32
    %jit3A_28 = arith.constant 0.000000e+00 : f32
    %broadcast_in_dim3A_29 = vector.broadcast %jit3A : f32 to vector<1024x2048xf32>
    %broadcast_in_dim3A_30 = vector.broadcast %jit3A_28 : f32 to vector<1024x2048xf32>
    %select_n3A = arith.select %eq3A_27, %broadcast_in_dim3A_29, %broadcast_in_dim3A_30 : vector<1024x2048xi1>, vector<1024x2048xf32>
    %iota3A = tpu.iota {dimensions = array<i32: 0>} : vector<2048x32xi32>
    %iota3A_31 = tpu.iota {dimensions = array<i32: 1>} : vector<2048x32xi32>
    %and3A = arith.constant 63 : i32
    %and3A_32 = vector.broadcast %and3A : i32 to vector<2048x32xi32>
    %and3A_33 = arith.andi %iota3A, %and3A_32 : vector<2048x32xi32>
    %sub3A = arith.constant 127 : i32
    %sub3A_34 = vector.broadcast %sub3A : i32 to vector<2048x32xi32>
    %sub3A_35 = arith.subi %sub3A_34, %and3A_33 : vector<2048x32xi32>
    %shift_left3A = arith.constant 23 : i32
    %shift_left3A_36 = vector.broadcast %shift_left3A : i32 to vector<2048x32xi32>
    %shift_left3A_37 = arith.shli %sub3A_35, %shift_left3A_36 : vector<2048x32xi32>
    %bitcast_convert_type3A = tpu.bitcast %shift_left3A_37 : vector<2048x32xi32> -> vector<2048x32xf32>
    %shift_right_arithmetic3A = arith.constant 6 : i32
    %shift_right_arithmetic3A_38 = vector.broadcast %shift_right_arithmetic3A : i32 to vector<2048x32xi32>
    %shift_right_arithmetic3A_39 = arith.shrsi %iota3A, %shift_right_arithmetic3A_38 : vector<2048x32xi32>
    %eq3A_40 = arith.cmpi eq, %shift_right_arithmetic3A_39, %iota3A_31 : vector<2048x32xi32>
    %jit3A_41 = arith.constant 0.000000e+00 : f32
    %broadcast_in_dim3A_42 = vector.broadcast %jit3A_41 : f32 to vector<2048x32xf32>
    %select_n3A_43 = arith.select %eq3A_40, %bitcast_convert_type3A, %broadcast_in_dim3A_42 : vector<2048x32xi1>, vector<2048x32xf32>
    %dot_general3A_44 = arith.constant dense<0.000000e+00> : vector<1024x32xf32>
    %dot_general3A_45 = tpu.matmul %select_n3A, %select_n3A_43, %dot_general3A_44 {dimension_numbers = #tpu.dot_dimension_numbers<[1], [0], [0], [1], [0, 0, 1, 1], [], []>, transpose_lhs_hint = false} : vector<1024x2048xf32>, vector<2048x32xf32>, vector<1024x32xf32> -> vector<1024x32xf32>
    %iota3A_46 = tpu.iota {dimensions = array<i32: 1>} : vector<1024x32xi32>
    %gt3A = arith.constant 0.000000e+00 : f32
    %gt3A_47 = vector.broadcast %gt3A : f32 to vector<1024x32xf32>
    %gt3A_48 = arith.cmpf ogt, %dot_general3A_45, %gt3A_47 : vector<1024x32xf32>
    %jit3A_49 = arith.constant 32 : i32
    %broadcast_in_dim3A_50 = vector.broadcast %jit3A_49 : i32 to vector<1024x32xi32>
    %select_n3A_51 = arith.select %gt3A_48, %iota3A_46, %broadcast_in_dim3A_50 : vector<1024x32xi1>, vector<1024x32xi32>
    %reduce_min3A = arith.constant dense<2147483647> : vector<1024xi32>
    %reduce_min3A_52 = vector.multi_reduction <minsi>, %select_n3A_51, %reduce_min3A [1] : vector<1024x32xi32> to vector<1024xi32>
    %broadcast_in_dim3A_53 = vector.shape_cast %reduce_min3A_52 : vector<1024xi32> to vector<1024x1xi32>
    %eq3A_54 = vector.broadcast %broadcast_in_dim3A_53 : vector<1024x1xi32> to vector<1024x32xi32>
    %eq3A_55 = arith.cmpi eq, %iota3A_46, %eq3A_54 : vector<1024x32xi32>
    %jit3A_56 = arith.constant 0.000000e+00 : f32
    %broadcast_in_dim3A_57 = vector.broadcast %jit3A_56 : f32 to vector<1024x32xf32>
    %select_n3A_58 = arith.select %eq3A_55, %dot_general3A_45, %broadcast_in_dim3A_57 : vector<1024x32xi1>, vector<1024x32xf32>
    %reduce_sum3A_59 = arith.constant dense<0.000000e+00> : vector<1024xf32>
    %reduce_sum3A_60 = vector.multi_reduction <add>, %select_n3A_58, %reduce_sum3A_59 [1] : vector<1024x32xf32> to vector<1024xf32>
    %broadcast_in_dim3A_61 = vector.shape_cast %reduce_sum3A_60 : vector<1024xf32> to vector<1024x1xf32>
    %bitcast_convert_type3A_62 = tpu.bitcast %broadcast_in_dim3A_61 : vector<1024x1xf32> -> vector<1024x1xi32>
    %shift_right_logical3A = arith.constant 23 : i32
    %shift_right_logical3A_63 = vector.broadcast %shift_right_logical3A : i32 to vector<1024x1xi32>
    %shift_right_logical3A_64 = arith.shrui %bitcast_convert_type3A_62, %shift_right_logical3A_63 : vector<1024x1xi32>
    %and3A_65 = arith.constant 255 : i32
    %and3A_66 = vector.broadcast %and3A_65 : i32 to vector<1024x1xi32>
    %and3A_67 = arith.andi %shift_right_logical3A_64, %and3A_66 : vector<1024x1xi32>
    %mul3A_68 = arith.constant 64 : i32
    %mul3A_69 = vector.broadcast %mul3A_68 : i32 to vector<1024x1xi32>
    %mul3A_70 = arith.muli %broadcast_in_dim3A_53, %mul3A_69 : vector<1024x1xi32>
    %sub3A_71 = arith.constant 127 : i32
    %sub3A_72 = vector.broadcast %sub3A_71 : i32 to vector<1024x1xi32>
    %sub3A_73 = arith.subi %sub3A_72, %and3A_67 : vector<1024x1xi32>
    %add3A_74 = arith.addi %mul3A_70, %sub3A_73 : vector<1024x1xi32>
    %mul3A_75 = arith.constant 2048 : i32
    %mul3A_76 = arith.muli %arg1, %mul3A_75 : i32
    %add3A_77 = vector.broadcast %mul3A_76 : i32 to vector<1024x1xi32>
    %add3A_78 = arith.addi %add3A_74, %add3A_77 : vector<1024x1xi32>
    %get3A_79 = arith.constant 0 : index
    %get3A_80 = arith.constant 0 : index
    %get3A_81 = vector.load %arg10[%get3A_79, %get3A_80] : memref<1024x1xf32, #tpu.memory_space<vmem>>, vector<1024x1xf32>
    %gt3A_82 = arith.cmpf ogt, %broadcast_in_dim3A, %get3A_81 : vector<1024x1xf32>
    %get3A_83 = arith.constant 0 : index
    %get3A_84 = arith.constant 0 : index
    %get3A_85 = vector.load %arg12[%get3A_83, %get3A_84] : memref<1024x1xi32, #tpu.memory_space<vmem>>, vector<1024x1xi32>
    %select_n3A_86 = arith.select %gt3A_82, %add3A_78, %get3A_85 : vector<1024x1xi1>, vector<1024x1xi32>
    %swap3A_87 = arith.constant 0 : index
    %swap3A_88 = arith.constant 0 : index
    %swap3A_89 = vector.load %arg12[%swap3A_87, %swap3A_88] : memref<1024x1xi32, #tpu.memory_space<vmem>>, vector<1024x1xi32>
    tpu.vector_store %arg12[%swap3A_87, %swap3A_88], %select_n3A_86 {strides = array<i32>} : memref<1024x1xi32, #tpu.memory_space<vmem>>, vector<1024x1xi32>,
    %max3A = arith.maximumf %get3A_81, %broadcast_in_dim3A : vector<1024x1xf32>
    %swap3A_90 = arith.constant 0 : index
    %swap3A_91 = arith.constant 0 : index
    %swap3A_92 = vector.load %arg10[%swap3A_90, %swap3A_91] : memref<1024x1xf32, #tpu.memory_space<vmem>>, vector<1024x1xf32>
    tpu.vector_store %arg10[%swap3A_90, %swap3A_91], %max3A {strides = array<i32>} : memref<1024x1xf32, #tpu.memory_space<vmem>>, vector<1024x1xf32>,
    %eq3A_93 = arith.constant 3 : i32
    %eq3A_94 = arith.cmpi eq, %arg1, %eq3A_93 : i32
    %convert_element_type3A_95 = arith.extui %eq3A_94 : i1 to i32
    %cond3A_96 = arith.constant 0 : i32
    %cond3A_97 = arith.cmpi ne, %convert_element_type3A_95, %cond3A_96 : i32
    scf.if %cond3A_97 {
      %get3A_98 = arith.constant 0 : index
      %get3A_99 = arith.constant 0 : index
      %get3A_100 = vector.load %arg10[%get3A_98, %get3A_99] : memref<1024x1xf32, #tpu.memory_space<vmem>>, vector<1024x1xf32>
      %swap3A_101 = arith.constant 0 : index
      %swap3A_102 = arith.constant 0 : index
      %swap3A_103 = vector.load %arg7[%swap3A_101, %swap3A_102] : memref<1024x1xf32, #tpu.memory_space<vmem>>, vector<1024x1xf32>
      tpu.vector_store %arg7[%swap3A_101, %swap3A_102], %get3A_100 {strides = array<i32>} : memref<1024x1xf32, #tpu.memory_space<vmem>>, vector<1024x1xf32>,
      %get3A_104 = arith.constant 0 : index
      %get3A_105 = arith.constant 0 : index
      %get3A_106 = vector.load %arg12[%get3A_104, %get3A_105] : memref<1024x1xi32, #tpu.memory_space<vmem>>, vector<1024x1xi32>
      %swap3A_107 = arith.constant 0 : index
      %swap3A_108 = arith.constant 0 : index
      %swap3A_109 = vector.load %arg8[%swap3A_107, %swap3A_108] : memref<1024x1xi32, #tpu.memory_space<vmem>>, vector<1024x1xi32>
      tpu.vector_store %arg8[%swap3A_107, %swap3A_108], %get3A_106 {strides = array<i32>} : memref<1024x1xi32, #tpu.memory_space<vmem>>, vector<1024x1xi32>,
      %get3A_110 = arith.constant 0 : index
      %get3A_111 = arith.constant 0 : index
      %get3A_112 = vector.load %arg11[%get3A_110, %get3A_111] : memref<1024x1xf32, #tpu.memory_space<vmem>>, vector<1024x1xf32>
      %log3A = math.log %get3A_112 : vector<1024x1xf32>
      %get3A_113 = arith.constant 0 : index
      %get3A_114 = arith.constant 0 : index
      %get3A_115 = memref.load %arg2[%get3A_113, %get3A_114] : memref<1x4xf32, #tpu.memory_space<smem>>
      %get3A_116 = arith.constant 0 : index
      %get3A_117 = arith.constant 0 : index
      %get3A_118 = vector.load %arg13[%get3A_116, %get3A_117] : memref<1024x1xf32, #tpu.memory_space<vmem>>, vector<1024x1xf32>
      %mul3A_119 = arith.constant 2.000000e+00 : f32
      %mul3A_120 = vector.broadcast %mul3A_119 : f32 to vector<1024x1xf32>
      %mul3A_121 = arith.mulf %mul3A_120, %get3A_118 : vector<1024x1xf32>
      %sub3A_122 = vector.broadcast %get3A_115 : f32 to vector<1024x1xf32>
      %sub3A_123 = arith.subf %sub3A_122, %mul3A_121 : vector<1024x1xf32>
      %get3A_124 = arith.constant 0 : index
      %get3A_125 = arith.constant 1 : index
      %get3A_126 = memref.load %arg2[%get3A_124, %get3A_125] : memref<1x4xf32, #tpu.memory_space<smem>>
      %mul3A_127 = vector.broadcast %get3A_126 : f32 to vector<1024x1xf32>
      %mul3A_128 = arith.mulf %mul3A_127, %log3A : vector<1024x1xf32>
      %add3A_129 = arith.addf %sub3A_123, %mul3A_128 : vector<1024x1xf32>
      %swap3A_130 = arith.constant 0 : index
      %swap3A_131 = arith.constant 0 : index
      %swap3A_132 = vector.load %arg9[%swap3A_130, %swap3A_131] : memref<1024x1xf32, #tpu.memory_space<vmem>>, vector<1024x1xf32>
      tpu.vector_store %arg9[%swap3A_130, %swap3A_131], %add3A_129 {strides = array<i32>} : memref<1024x1xf32, #tpu.memory_space<vmem>>, vector<1024x1xf32>,
    } else {
    }
    return
  }
  func.func @transform_0(%arg0: i32, %arg1: i32) -> (i32, i32) {
    %c0_i32 = arith.constant 0 : i32
    %c0_i32_0 = arith.constant 0 : i32
    %c0_i32_1 = arith.constant 0 : i32
    return %c0_i32, %c0_i32_0 : i32, i32
  }
  func.func @transform_1(%arg0: i32, %arg1: i32) -> (i32, i32) {
    %c0_i32 = arith.constant 0 : i32
    %c0_i32_0 = arith.constant 0 : i32
    return %arg0, %c0_i32 : i32, i32
  }
  func.func @transform_2(%arg0: i32, %arg1: i32) -> (i32, i32) {
    %c0_i32 = arith.constant 0 : i32
    %c0_i32_0 = arith.constant 0 : i32
    return %arg1, %c0_i32 : i32, i32
  }
  func.func @transform_3(%arg0: i32, %arg1: i32) -> (i32, i32) {
    %c0_i32 = arith.constant 0 : i32
    %c0_i32_0 = arith.constant 0 : i32
    %c0_i32_1 = arith.constant 0 : i32
    return %c0_i32, %c0_i32_0 : i32, i32
  }
  func.func @transform_4(%arg0: i32, %arg1: i32) -> (i32, i32) {
    %c0_i32 = arith.constant 0 : i32
    return %arg0, %arg1 : i32, i32
  }
  func.func @transform_5(%arg0: i32, %arg1: i32) -> (i32, i32) {
    %c0_i32 = arith.constant 0 : i32
    %c0_i32_0 = arith.constant 0 : i32
    return %arg0, %c0_i32 : i32, i32
  }
  func.func @transform_6(%arg0: i32, %arg1: i32) -> (i32, i32) {
    %c0_i32 = arith.constant 0 : i32
    %c0_i32_0 = arith.constant 0 : i32
    return %arg0, %c0_i32 : i32, i32
  }
  func.func @transform_7(%arg0: i32, %arg1: i32) -> (i32, i32) {
    %c0_i32 = arith.constant 0 : i32
    %c0_i32_0 = arith.constant 0 : i32
    return %arg0, %c0_i32 : i32, i32
  }
}

module attributes {stable_mosaic.version = 14 : i64} {
  func.func @_mlp_kernel(%arg0: i32, %arg1: memref<1x1xf32, #tpu.memory_space<smem>>, %arg2: memref<1024x1024xf32, #tpu.memory_space<vmem>>, %arg3: memref<1024x512xf32, #tpu.memory_space<vmem>>, %arg4: memref<1x512xf32, #tpu.memory_space<vmem>>, %arg5: memref<512x256xf32, #tpu.memory_space<vmem>>, %arg6: memref<1x256xf32, #tpu.memory_space<vmem>>, %arg7: memref<1024x256xf32, #tpu.memory_space<vmem>>, %arg8: memref<1x8192xf32, #tpu.memory_space<vmem>>, %arg9: memref<1x8192xf32, #tpu.memory_space<vmem>>, %arg10: memref<1024x256xf32, #tpu.memory_space<vmem>>, %arg11: memref<1024x256xf32, #tpu.memory_space<vmem>>, %arg12: memref<256x1xf32, #tpu.memory_space<vmem>>, %arg13: memref<1x4xf32, #tpu.memory_space<smem>>, %arg14: memref<256x1xf32, #tpu.memory_space<vmem>>) attributes {dimension_semantics = [#tpu.dimension_semantics<arbitrary>], iteration_bounds = array<i64: 8>, scalar_prefetch = 0 : i64, scratch_operands = 1 : i64, tpu.core_type = #tpu.core_type<tc>, window_params = [{transform_indices = @transform_0, window_bounds = array<i64: 1, 1>}, {transform_indices = @transform_1, window_bounds = array<i64: 1024, 1024>}, {pipeline_mode = #tpu.pipeline_mode<synchronous>, transform_indices = @transform_2, window_bounds = array<i64: 1024, 512>}, {pipeline_mode = #tpu.pipeline_mode<synchronous>, transform_indices = @transform_3, window_bounds = array<i64: 1, 512>}, {pipeline_mode = #tpu.pipeline_mode<synchronous>, transform_indices = @transform_4, window_bounds = array<i64: 512, 256>}, {pipeline_mode = #tpu.pipeline_mode<synchronous>, transform_indices = @transform_5, window_bounds = array<i64: 1, 256>}, {transform_indices = @transform_6, window_bounds = array<i64: 1024, 256>}, {pipeline_mode = #tpu.pipeline_mode<synchronous>, transform_indices = @transform_7, window_bounds = array<i64: 1, 8192>}, {pipeline_mode = #tpu.pipeline_mode<synchronous>, transform_indices = @transform_8, window_bounds = array<i64: 1, 8192>}, {transform_indices = @transform_9, window_bounds = array<i64: 1024, 256>}, {transform_indices = @transform_10, window_bounds = array<i64: 1024, 256>}, {pipeline_mode = #tpu.pipeline_mode<synchronous>, transform_indices = @transform_11, window_bounds = array<i64: 256, 1>}, {transform_indices = @transform_12, window_bounds = array<i64: 1, 4>}]} {
    %get3A = arith.constant 0 : index
    %get3A_0 = arith.constant 0 : index
    %get3A_1 = memref.load %arg1[%get3A, %get3A_0] : memref<1x1xf32, #tpu.memory_space<smem>>
    %abs3A = math.absf %get3A_1 : f32
    %add3A = arith.constant 1.000000e-01 : f32
    %add3A_2 = arith.addf %abs3A, %add3A : f32
    %div3A = arith.constant 1.000000e+00 : f32
    %div3A_3 = arith.divf %div3A, %add3A_2 : f32
    %get3A_4 = arith.constant 0 : index
    %get3A_5 = arith.constant 0 : index
    %get3A_6 = vector.load %arg2[%get3A_4, %get3A_5] : memref<1024x1024xf32, #tpu.memory_space<vmem>>, vector<1024x1024xf32>
    %get3A_7 = arith.constant 0 : index
    %get3A_8 = arith.constant 0 : index
    %get3A_9 = vector.load %arg3[%get3A_7, %get3A_8] : memref<1024x512xf32, #tpu.memory_space<vmem>>, vector<1024x512xf32>
    %dot_general3A = arith.constant dense<0.000000e+00> : vector<1024x512xf32>
    %dot_general3A_10 = tpu.matmul %get3A_6, %get3A_9, %dot_general3A {dimension_numbers = #tpu.dot_dimension_numbers<[1], [0], [0], [1], [0, 0, 1, 1], [], []>, transpose_lhs_hint = false} : vector<1024x1024xf32>, vector<1024x512xf32>, vector<1024x512xf32> -> vector<1024x512xf32>
    %get3A_11 = arith.constant 0 : index
    %get3A_12 = arith.constant 0 : index
    %get3A_13 = vector.load %arg4[%get3A_11, %get3A_12] : memref<1x512xf32, #tpu.memory_space<vmem>>, vector<1x512xf32>
    %add3A_14 = vector.broadcast %get3A_13 : vector<1x512xf32> to vector<1024x512xf32>
    %add3A_15 = arith.addf %dot_general3A_10, %add3A_14 : vector<1024x512xf32>
    %mul3A = arith.constant 5.000000e-01 : f32
    %mul3A_16 = vector.broadcast %mul3A : f32 to vector<1024x512xf32>
    %mul3A_17 = arith.mulf %mul3A_16, %add3A_15 : vector<1024x512xf32>
    %mul3A_18 = arith.constant 0.707106769 : f32
    %mul3A_19 = vector.broadcast %mul3A_18 : f32 to vector<1024x512xf32>
    %mul3A_20 = arith.mulf %add3A_15, %mul3A_19 : vector<1024x512xf32>
    %erf3A = math.erf %mul3A_20 : vector<1024x512xf32>
    %add3A_21 = arith.constant 1.000000e+00 : f32
    %add3A_22 = vector.broadcast %add3A_21 : f32 to vector<1024x512xf32>
    %add3A_23 = arith.addf %add3A_22, %erf3A : vector<1024x512xf32>
    %mul3A_24 = arith.mulf %mul3A_17, %add3A_23 : vector<1024x512xf32>
    %get3A_25 = arith.constant 0 : index
    %get3A_26 = arith.constant 0 : index
    %get3A_27 = vector.load %arg5[%get3A_25, %get3A_26] : memref<512x256xf32, #tpu.memory_space<vmem>>, vector<512x256xf32>
    %dot_general3A_28 = arith.constant dense<0.000000e+00> : vector<1024x256xf32>
    %dot_general3A_29 = tpu.matmul %mul3A_24, %get3A_27, %dot_general3A_28 {dimension_numbers = #tpu.dot_dimension_numbers<[1], [0], [0], [1], [0, 0, 1, 1], [], []>, transpose_lhs_hint = false} : vector<1024x512xf32>, vector<512x256xf32>, vector<1024x256xf32> -> vector<1024x256xf32>
    %get3A_30 = arith.constant 0 : index
    %get3A_31 = arith.constant 0 : index
    %get3A_32 = vector.load %arg6[%get3A_30, %get3A_31] : memref<1x256xf32, #tpu.memory_space<vmem>>, vector<1x256xf32>
    %add3A_33 = vector.broadcast %get3A_32 : vector<1x256xf32> to vector<1024x256xf32>
    %add3A_34 = arith.addf %dot_general3A_29, %add3A_33 : vector<1024x256xf32>
    %mul3A_35 = arith.mulf %add3A_34, %add3A_34 : vector<1024x256xf32>
    %reduce_sum3A = arith.constant dense<0.000000e+00> : vector<1024xf32>
    %reduce_sum3A_36 = vector.multi_reduction <add>, %mul3A_35, %reduce_sum3A [1] : vector<1024x256xf32> to vector<1024xf32>
    %broadcast_in_dim3A = vector.shape_cast %reduce_sum3A_36 : vector<1024xf32> to vector<1024x1xf32>
    %sqrt3A = math.sqrt %broadcast_in_dim3A : vector<1024x1xf32>
    %max3A = arith.constant 9.99999996E-13 : f32
    %max3A_37 = vector.broadcast %max3A : f32 to vector<1024x1xf32>
    %max3A_38 = arith.maximumf %sqrt3A, %max3A_37 : vector<1024x1xf32>
    %div3A_39 = vector.broadcast %max3A_38 : vector<1024x1xf32> to vector<1024x256xf32>
    %div3A_40 = arith.divf %add3A_34, %div3A_39 : vector<1024x256xf32>
    %swap3A = arith.constant 0 : index
    %swap3A_41 = arith.constant 0 : index
    %swap3A_42 = vector.load %arg10[%swap3A, %swap3A_41] : memref<1024x256xf32, #tpu.memory_space<vmem>>, vector<1024x256xf32>
    tpu.vector_store %arg10[%swap3A, %swap3A_41], %div3A_40 {strides = array<i32>} : memref<1024x256xf32, #tpu.memory_space<vmem>>, vector<1024x256xf32>,
    %get3A_43 = arith.constant 0 : index
    %get3A_44 = arith.constant 0 : index
    %get3A_45 = vector.load %arg7[%get3A_43, %get3A_44] : memref<1024x256xf32, #tpu.memory_space<vmem>>, vector<1024x256xf32>
    %mul3A_46 = arith.mulf %get3A_45, %get3A_45 : vector<1024x256xf32>
    %reduce_sum3A_47 = arith.constant dense<0.000000e+00> : vector<1024xf32>
    %reduce_sum3A_48 = vector.multi_reduction <add>, %mul3A_46, %reduce_sum3A_47 [1] : vector<1024x256xf32> to vector<1024xf32>
    %broadcast_in_dim3A_49 = vector.shape_cast %reduce_sum3A_48 : vector<1024xf32> to vector<1024x1xf32>
    %sqrt3A_50 = math.sqrt %broadcast_in_dim3A_49 : vector<1024x1xf32>
    %max3A_51 = arith.constant 9.99999996E-13 : f32
    %max3A_52 = vector.broadcast %max3A_51 : f32 to vector<1024x1xf32>
    %max3A_53 = arith.maximumf %sqrt3A_50, %max3A_52 : vector<1024x1xf32>
    %div3A_54 = vector.broadcast %max3A_53 : vector<1024x1xf32> to vector<1024x256xf32>
    %div3A_55 = arith.divf %get3A_45, %div3A_54 : vector<1024x256xf32>
    %swap3A_56 = arith.constant 0 : index
    %swap3A_57 = arith.constant 0 : index
    %swap3A_58 = vector.load %arg11[%swap3A_56, %swap3A_57] : memref<1024x256xf32, #tpu.memory_space<vmem>>, vector<1024x256xf32>
    tpu.vector_store %arg11[%swap3A_56, %swap3A_57], %div3A_55 {strides = array<i32>} : memref<1024x256xf32, #tpu.memory_space<vmem>>, vector<1024x256xf32>,
    %get3A_59 = arith.constant 0 : index
    %get3A_60 = arith.constant 0 : index
    %get3A_61 = vector.load %arg8[%get3A_59, %get3A_60] : memref<1x8192xf32, #tpu.memory_space<vmem>>, vector<1x8192xf32>
    %reduce_sum3A_62 = vector.shape_cast %get3A_61 : vector<1x8192xf32> to vector<1x1x8192xf32>
    %reduce_sum3A_63 = arith.constant dense<0.000000e+00> : vector<1xf32>
    %reduce_sum3A_64 = vector.multi_reduction <add>, %reduce_sum3A_62, %reduce_sum3A_63 [1, 2] : vector<1x1x8192xf32> to vector<1xf32>
    %reduce_sum3A_65 = vector.shape_cast %reduce_sum3A_64 : vector<1xf32> to vector<1x1x1xf32>
    %reduce_sum3A_66 = vector.extract %reduce_sum3A_65[0, 0, 0] : f32 from vector<1x1x1xf32>
    %add3A_67 = arith.constant 9.99999993E-9 : f32
    %add3A_68 = arith.addf %reduce_sum3A_66, %add3A_67 : f32
    %div3A_69 = vector.broadcast %add3A_68 : f32 to vector<1x8192xf32>
    %div3A_70 = arith.divf %get3A_61, %div3A_69 : vector<1x8192xf32>
    %mul3A_71 = arith.constant 1024 : i32
    %mul3A_72 = arith.muli %arg0, %mul3A_71 : i32
    %get3A_73 = arith.constant 0 : index
    %get3A_74 = arith.index_cast %mul3A_72 : i32 to index
    %get3A_75 = vector.load %arg8[%get3A_73, %get3A_74] : memref<1x8192xf32, #tpu.memory_space<vmem>>, vector<1x1024xf32>
    %div3A_76 = vector.broadcast %add3A_68 : f32 to vector<1x1024xf32>
    %div3A_77 = arith.divf %get3A_75, %div3A_76 : vector<1x1024xf32>
    %dot_general3A_78 = arith.constant dense<0.000000e+00> : vector<256x1xf32>
    %dot_general3A_79 = tpu.matmul %div3A_55, %div3A_77, %dot_general3A_78 {dimension_numbers = #tpu.dot_dimension_numbers<[0], [1], [1], [0], [0, 1, 1, 0], [], []>, transpose_lhs_hint = false} : vector<1024x256xf32>, vector<1x1024xf32>, vector<256x1xf32> -> vector<256x1xf32>
    %eq3A = arith.constant 0 : i32
    %eq3A_80 = arith.cmpi eq, %arg0, %eq3A : i32
    %convert_element_type3A = arith.extui %eq3A_80 : i1 to i32
    %cond3A = arith.constant 0 : i32
    %cond3A_81 = arith.cmpi ne, %convert_element_type3A, %cond3A : i32
    scf.if %cond3A_81 {
      %broadcast_in_dim3A_122 = arith.constant 0.000000e+00 : f32
      %broadcast_in_dim3A_123 = vector.broadcast %broadcast_in_dim3A_122 : f32 to vector<256x1xf32>
      %swap3A_124 = arith.constant 0 : index
      %swap3A_125 = arith.constant 0 : index
      %swap3A_126 = vector.load %arg14[%swap3A_124, %swap3A_125] : memref<256x1xf32, #tpu.memory_space<vmem>>, vector<256x1xf32>
      tpu.vector_store %arg14[%swap3A_124, %swap3A_125], %broadcast_in_dim3A_123 {strides = array<i32>} : memref<256x1xf32, #tpu.memory_space<vmem>>, vector<256x1xf32>,
    } else {
    }
    %get3A_82 = arith.constant 0 : index
    %get3A_83 = arith.constant 0 : index
    %get3A_84 = vector.load %arg14[%get3A_82, %get3A_83] : memref<256x1xf32, #tpu.memory_space<vmem>>, vector<256x1xf32>
    %add3A_85 = arith.addf %get3A_84, %dot_general3A_79 : vector<256x1xf32>
    %swap3A_86 = arith.constant 0 : index
    %swap3A_87 = arith.constant 0 : index
    %swap3A_88 = vector.load %arg14[%swap3A_86, %swap3A_87] : memref<256x1xf32, #tpu.memory_space<vmem>>, vector<256x1xf32>
    tpu.vector_store %arg14[%swap3A_86, %swap3A_87], %add3A_85 {strides = array<i32>} : memref<256x1xf32, #tpu.memory_space<vmem>>, vector<256x1xf32>,
    %eq3A_89 = arith.constant 7 : i32
    %eq3A_90 = arith.cmpi eq, %arg0, %eq3A_89 : i32
    %convert_element_type3A_91 = arith.extui %eq3A_90 : i1 to i32
    %cond3A_92 = arith.constant 0 : i32
    %cond3A_93 = arith.cmpi ne, %convert_element_type3A_91, %cond3A_92 : i32
    scf.if %cond3A_93 {
      %get3A_122 = arith.constant 0 : index
      %get3A_123 = arith.constant 0 : index
      %get3A_124 = vector.load %arg14[%get3A_122, %get3A_123] : memref<256x1xf32, #tpu.memory_space<vmem>>, vector<256x1xf32>
      %swap3A_125 = arith.constant 0 : index
      %swap3A_126 = arith.constant 0 : index
      %swap3A_127 = vector.load %arg12[%swap3A_125, %swap3A_126] : memref<256x1xf32, #tpu.memory_space<vmem>>, vector<256x1xf32>
      tpu.vector_store %arg12[%swap3A_125, %swap3A_126], %get3A_124 {strides = array<i32>} : memref<256x1xf32, #tpu.memory_space<vmem>>, vector<256x1xf32>,
    } else {
    }
    %log3A = math.log %div3A_70 : vector<1x8192xf32>
    %mul3A_94 = arith.mulf %div3A_70, %log3A : vector<1x8192xf32>
    %reduce_sum3A_95 = vector.shape_cast %mul3A_94 : vector<1x8192xf32> to vector<1x1x8192xf32>
    %reduce_sum3A_96 = arith.constant dense<0.000000e+00> : vector<1xf32>
    %reduce_sum3A_97 = vector.multi_reduction <add>, %reduce_sum3A_95, %reduce_sum3A_96 [1, 2] : vector<1x1x8192xf32> to vector<1xf32>
    %reduce_sum3A_98 = vector.shape_cast %reduce_sum3A_97 : vector<1xf32> to vector<1x1x1xf32>
    %reduce_sum3A_99 = vector.extract %reduce_sum3A_98[0, 0, 0] : f32 from vector<1x1x1xf32>
    %swap3A_100 = arith.constant 0 : index
    %swap3A_101 = arith.constant 0 : index
    %swap3A_102 = memref.load %arg13[%swap3A_100, %swap3A_101] : memref<1x4xf32, #tpu.memory_space<smem>>
    memref.store %reduce_sum3A_99, %arg13[%swap3A_100, %swap3A_101] : memref<1x4xf32, #tpu.memory_space<smem>>
    %div3A_103 = arith.divf %reduce_sum3A_66, %add3A_68 : f32
    %swap3A_104 = arith.constant 0 : index
    %swap3A_105 = arith.constant 1 : index
    %swap3A_106 = memref.load %arg13[%swap3A_104, %swap3A_105] : memref<1x4xf32, #tpu.memory_space<smem>>
    memref.store %div3A_103, %arg13[%swap3A_104, %swap3A_105] : memref<1x4xf32, #tpu.memory_space<smem>>
    %swap3A_107 = arith.constant 0 : index
    %swap3A_108 = arith.constant 2 : index
    %swap3A_109 = memref.load %arg13[%swap3A_107, %swap3A_108] : memref<1x4xf32, #tpu.memory_space<smem>>
    memref.store %div3A_3, %arg13[%swap3A_107, %swap3A_108] : memref<1x4xf32, #tpu.memory_space<smem>>
    %get3A_110 = arith.constant 0 : index
    %get3A_111 = arith.constant 0 : index
    %get3A_112 = vector.load %arg9[%get3A_110, %get3A_111] : memref<1x8192xf32, #tpu.memory_space<vmem>>, vector<1x8192xf32>
    %reduce_max3A = vector.shape_cast %get3A_112 : vector<1x8192xf32> to vector<1x1x8192xf32>
    %reduce_max3A_113 = arith.constant dense<0xFF800000> : vector<1xf32>
    %reduce_max3A_114 = vector.multi_reduction <maximumf>, %reduce_max3A, %reduce_max3A_113 [1, 2] : vector<1x1x8192xf32> to vector<1xf32>
    %reduce_max3A_115 = vector.shape_cast %reduce_max3A_114 : vector<1xf32> to vector<1x1x1xf32>
    %reduce_max3A_116 = vector.extract %reduce_max3A_115[0, 0, 0] : f32 from vector<1x1x1xf32>
    %add3A_117 = arith.constant 9.99999993E-9 : f32
    %add3A_118 = arith.addf %reduce_max3A_116, %add3A_117 : f32
    %swap3A_119 = arith.constant 0 : index
    %swap3A_120 = arith.constant 3 : index
    %swap3A_121 = memref.load %arg13[%swap3A_119, %swap3A_120] : memref<1x4xf32, #tpu.memory_space<smem>>
    memref.store %add3A_118, %arg13[%swap3A_119, %swap3A_120] : memref<1x4xf32, #tpu.memory_space<smem>>
    return
  }
  func.func @transform_0(%arg0: i32) -> (i32, i32) {
    %c0_i32 = arith.constant 0 : i32
    %c0_i32_0 = arith.constant 0 : i32
    %c0_i32_1 = arith.constant 0 : i32
    return %c0_i32, %c0_i32_0 : i32, i32
  }
  func.func @transform_1(%arg0: i32) -> (i32, i32) {
    %c0_i32 = arith.constant 0 : i32
    %c0_i32_0 = arith.constant 0 : i32
    return %arg0, %c0_i32 : i32, i32
  }
  func.func @transform_2(%arg0: i32) -> (i32, i32) {
    %c0_i32 = arith.constant 0 : i32
    %c0_i32_0 = arith.constant 0 : i32
    %c0_i32_1 = arith.constant 0 : i32
    return %c0_i32, %c0_i32_0 : i32, i32
  }
  func.func @transform_3(%arg0: i32) -> (i32, i32) {
    %c0_i32 = arith.constant 0 : i32
    %c0_i32_0 = arith.constant 0 : i32
    %c0_i32_1 = arith.constant 0 : i32
    return %c0_i32, %c0_i32_0 : i32, i32
  }
  func.func @transform_4(%arg0: i32) -> (i32, i32) {
    %c0_i32 = arith.constant 0 : i32
    %c0_i32_0 = arith.constant 0 : i32
    %c0_i32_1 = arith.constant 0 : i32
    return %c0_i32, %c0_i32_0 : i32, i32
  }
  func.func @transform_5(%arg0: i32) -> (i32, i32) {
    %c0_i32 = arith.constant 0 : i32
    %c0_i32_0 = arith.constant 0 : i32
    %c0_i32_1 = arith.constant 0 : i32
    return %c0_i32, %c0_i32_0 : i32, i32
  }
  func.func @transform_6(%arg0: i32) -> (i32, i32) {
    %c0_i32 = arith.constant 0 : i32
    %c0_i32_0 = arith.constant 0 : i32
    return %arg0, %c0_i32 : i32, i32
  }
  func.func @transform_7(%arg0: i32) -> (i32, i32) {
    %c0_i32 = arith.constant 0 : i32
    %c0_i32_0 = arith.constant 0 : i32
    %c0_i32_1 = arith.constant 0 : i32
    return %c0_i32, %c0_i32_0 : i32, i32
  }
  func.func @transform_8(%arg0: i32) -> (i32, i32) {
    %c0_i32 = arith.constant 0 : i32
    %c0_i32_0 = arith.constant 0 : i32
    %c0_i32_1 = arith.constant 0 : i32
    return %c0_i32, %c0_i32_0 : i32, i32
  }
  func.func @transform_9(%arg0: i32) -> (i32, i32) {
    %c0_i32 = arith.constant 0 : i32
    %c0_i32_0 = arith.constant 0 : i32
    return %arg0, %c0_i32 : i32, i32
  }
  func.func @transform_10(%arg0: i32) -> (i32, i32) {
    %c0_i32 = arith.constant 0 : i32
    %c0_i32_0 = arith.constant 0 : i32
    return %arg0, %c0_i32 : i32, i32
  }
  func.func @transform_11(%arg0: i32) -> (i32, i32) {
    %c0_i32 = arith.constant 0 : i32
    %c0_i32_0 = arith.constant 0 : i32
    %c0_i32_1 = arith.constant 0 : i32
    return %c0_i32, %c0_i32_0 : i32, i32
  }
  func.func @transform_12(%arg0: i32) -> (i32, i32) {
    %c0_i32 = arith.constant 0 : i32
    %c0_i32_0 = arith.constant 0 : i32
    %c0_i32_1 = arith.constant 0 : i32
    return %c0_i32, %c0_i32_0 : i32, i32
  }
}

</mosaic_0001>

<sc_bundles>
// kernel: kernel.5.cloned.1.call-start
scs
__scs_entry_jumppad:
0x0: {  	(pc) =	sbr.rel $0x88, $3  }
0x1: {  	(tag) =	ssettag $0x0;
	lr =	simm.s32 $0x1  }
0x2: {  	[smem:$0x3F97] =	sst lr;
	_ =	strace $0xD0000000  }
0x3: {  	_ = 	snop  }
0x4: {  	_ = 	snop  }
0x5: {  	_ = 	snop  }
0x6: {  	_ = 	snop  }
0x7: {  	_ = 	snop  }
__scs_overlays_trampoline_lowered:
0x8: {  	[smem:$0x3FA6] =	sst s0  }
0x9: {  	[smem:$0x3FA7] =	sst s1  }
0xa: {  	[smem:$0x3FA8] =	sst s2  }
0xb: {  	[smem:$0x3FA9] =	sst s3  }
0xc: {  	[smem:$0x3FAA] =	sst s4  }
0xd: {  	[smem:$0x3FAB] =	sst s5  }
0xe: {  	[smem:$0x3FAC] =	sst s6  }
0xf: {  	[smem:$0x3FAD] =	sst s7  }
0x10: {  	[smem:$0x3FAE] =	sst s8  }
0x11: {  	[smem:$0x3FAF] =	sst s9;
	s0 =	simm.s32 @!p0 $0x0  }
0x12: {  	s1 =	sld [smem:$0x3F95];
	s0 =	simm.s32 @p0 $0x1  }
0x13: {  	[smem:$0x3FB0] =	sst s0;
	s0 =	simm.s32 @!p1 $0x0  }
0x14: {  	s2 =	sld [smem:$0x3F94];
	s0 =	simm.s32 @p1 $0x1  }
0x15: {  	[smem:$0x3FB1] =	sst s0;
	s0 =	simm.s32 @!p2 $0x0  }
0x16: {  	s3 =	sld [smem:$0x3FDB];
	s0 =	simm.s32 @p2 $0x1  }
0x17: {  	s4 =	simm.s32 $0x1BF5;
	[smem:$0x3FB3] =	sst s0  }
0x18: {  	s0 =	sld [smem:$0x3F96];
	_ =	swait.ge [sflag:s4], $0x0  }
0x19: {  	s7 =	sld [smem:$0x3F97]  }
0x1a: {  	s8 =	sadd.s32 $0xFFFFE003, lr  }
0x1b: {  	s9 =	sadd.s32 $0xFFFFFEF7, lr;
	s5 =	simm.s32 $0xFFFFFFFF;
	p2 =	slt.u32 s8, $0xFFFFF086  }
0x1c: {  	p1 =	slt.u32 s9, $0xF7A;
	s5 =	simm.s32 @!p2 $0x0  }
0x1d: {  	s5 =	simm.s32 @p1 $0x1;
	p0 =	seq.s32 s7, s2  }
0x1e: {  	s7 =	smul.u32 @!p0 $0xF7A, s2;
	p2 =	seq.s32 @!p0 s5, $0x0  }
0x1f: {  	s9 =	smul.u32 $0xF7A, s1;
	s8 =	simm.s32 @!p0 $0x1BF5;
	p2 =	por !p2, p0  }
0x20: {  	[sflag:s8] =	ssyncset.s32 @!p0 $0xFFFFF086;
	s6 =	sadd.s32 @!p0 s3, s7;
	s7 =	simm.s32 @!p0 $0x108  }
0x21: {  	s3 =	sadd.s32 s3, s9;
	s6 =	sadd.s32 @!p0 $0x88, s6;
	s7 =	simm.s32 @p2 $0x1082  }
0x22: {  	[simem:s7], [sflag:s8] =	dma.local @!p0 [hbm:s6], $0xF7A  }
0x23: {  	s9 =	sor.u32 $0xD0000000, s2;
	s6 =	simm.s32 $0x108;
	_ =	swait.ge @!p0 [sflag:s8], $0x0  }
0x24: {  	s3 =	sadd.s32 $0x88, s3;
	s6 =	simm.s32 @!p1 $0x1082;
	[sflag:s4] =	ssyncset.s32 $0xFFFFF086  }
0x25: {  	[simem:s6], [sflag:s4] =	dma.local [hbm:s3], $0xF7A  }
0x26: {  	[smem:$0x3F97] =	sst s1;
	(tag) =	ssettag s2;
	_ =	strace s9  }
0x27: {  	s1 =	sld [smem:$0x3FA7]  }
0x28: {  	s2 =	sld [smem:$0x3FA8]  }
0x29: {  	s4 =	sld [smem:$0x3FAA]  }
0x2a: {  	p0 =	seq.s32 s5, $0x0;
	s5 =	sld [smem:$0x3FAB]  }
0x2b: {  	s6 =	sld [smem:$0x3FAC]  }
0x2c: {  	s7 =	sld [smem:$0x3FAD]  }
0x2d: {  	s3 =	simm.s32 $0x108;
	s8 =	sld [smem:$0x3FAE]  }
0x2e: {  	s3 =	simm.s32 @!p0 $0x1082;
	s9 =	sld [smem:$0x3FAF]  }
0x2f: {  	lr =	sadd.s32 s0, s3;
	s0 =	sld [smem:$0x3FA6]  }
0x30: {  	s3 =	sld [smem:$0x3FA9]  }
0x31: {  	[smem:$0x3FB2] =	sst s10  }
0x32: {  	s10 =	sld [smem:$0x3FB0];
	_ =	sdelay $0x3  }
0x33: {  	p0 =	seq.s32 s10, $0x1;
	s10 =	sld [smem:$0x3FB2];
	_ =	sdelay $0x3  }
0x34: {  	[smem:$0x3FB2] =	sst s10  }
0x35: {  	s10 =	sld [smem:$0x3FB1];
	_ =	sdelay $0x3  }
0x36: {  	p1 =	seq.s32 s10, $0x1;
	s10 =	sld [smem:$0x3FB2];
	_ =	sdelay $0x3  }
0x37: {  	[smem:$0x3FB2] =	sst s10  }
0x38: {  	s10 =	sld [smem:$0x3FB3]  }
0x39: {  	_ = 	snop;
	(pc) =	sbr.ind lr, $3  }
0x3a: {  	_ = 	snop  }
0x3b: {  	_ = 	snop  }
0x3c: {  	p2 =	seq.s32 s10, $0x1;
	s10 =	sld [smem:$0x3FB2]  }
0x3d: {  	_ =	shalt  }
0x3e: {  	_ =	shalt  }
0x3f: {  	_ =	shalt  }
0x40: {  	_ =	shalt  }
0x41: {  	_ =	shalt  }
0x42: {  	_ =	shalt  }
0x43: {  	_ =	shalt  }
0x44: {  	_ =	shalt  }
0x45: {  	_ =	shalt  }
0x46: {  	_ =	shalt  }
0x47: {  	_ =	shalt  }
0x48: {  	_ =	shalt  }
0x49: {  	_ =	shalt  }
0x4a: {  	_ =	shalt  }
0x4b: {  	_ =	shalt  }
0x4c: {  	_ =	shalt  }
0x4d: {  	_ =	shalt  }
0x4e: {  	_ =	shalt  }
0x4f: {  	_ =	shalt  }
0x50: {  	_ =	shalt  }
0x51: {  	_ =	shalt  }
0x52: {  	_ =	shalt  }
0x53: {  	_ =	shalt  }
0x54: {  	_ =	shalt  }
0x55: {  	_ =	shalt  }
0x56: {  	_ =	shalt  }
0x57: {  	_ =	shalt  }
0x58: {  	_ =	shalt  }
0x59: {  	_ =	shalt  }
0x5a: {  	_ =	shalt  }
0x5b: {  	_ =	shalt  }
0x5c: {  	_ =	shalt  }
0x5d: {  	_ =	shalt  }
0x5e: {  	_ =	shalt  }
0x5f: {  	_ =	shalt  }
0x60: {  	_ =	shalt  }
0x61: {  	_ =	shalt  }
0x62: {  	_ =	shalt  }
0x63: {  	_ =	shalt  }
0x64: {  	_ =	shalt  }
0x65: {  	_ =	shalt  }
0x66: {  	_ =	shalt  }
0x67: {  	_ =	shalt  }
0x68: {  	_ =	shalt  }
0x69: {  	_ =	shalt  }
0x6a: {  	_ =	shalt  }
0x6b: {  	_ =	shalt  }
0x6c: {  	_ =	shalt  }
0x6d: {  	_ =	shalt  }
0x6e: {  	_ =	shalt  }
0x6f: {  	_ =	shalt  }
0x70: {  	_ =	shalt  }
0x71: {  	_ =	shalt  }
0x72: {  	_ =	shalt  }
0x73: {  	_ =	shalt  }
0x74: {  	_ =	shalt  }
0x75: {  	_ =	shalt  }
0x76: {  	_ =	shalt  }
0x77: {  	_ =	shalt  }
0x78: {  	_ =	shalt  }
0x79: {  	_ =	shalt  }
0x7a: {  	_ =	shalt  }
0x7b: {  	_ =	shalt  }
0x7c: {  	_ =	shalt  }
0x7d: {  	_ =	shalt  }
0x7e: {  	_ =	shalt  }
0x7f: {  	_ =	shalt  }
0x80: {  	_ =	shalt  }
0x81: {  	_ =	shalt  }
0x82: {  	_ =	shalt  }
0x83: {  	_ =	shalt  }
0x84: {  	_ =	shalt  }
0x85: {  	_ =	shalt  }
0x86: {  	_ =	shalt  }
0x87: {  	_ =	shalt  }
.Lfunc_end0:
.L_simem_size_0:
called_computation_lowered:
.L_overlay_start_0:
0x88: {  	s2 =	sld [smem:$0x3FD9]  }
0x89: {  	s3 =	sld [smem:$0x3FFE];
	_ =	sdelay $0x1  }
0x8a: {  	s1 =	srdreg.scid  }
0x8b: {  	s0 =	sand.u32 $0x1, s1  }
0x8c: {  	s14 =	sshll.u32 s0, $0xA;
	s2 =	sadd.s32 s3, s2  }
0x8d: {  	s2 =	sadd.s32 s2, s14  }
0x8e: {  	[smem:$0x3FBE] =	sst s2  }
0x8f: {  	_ = 	snop  }
0x90: {  	s2 =	sld [smem:$0x3FD0];
	_ =	sdelay $0x1  }
0x91: {  	s15 =	sld [smem:$0x3FC3]  }
0x92: {  	s5 =	simm.s32 $0xA;
	s6 =	simm.s32 $0x10;
	s4 =	sld [smem:$0x3FC1]  }
0x93: {  	[smem:s6], [sflag:s5] =	dma.local [hbm:s2], $0x1  }
0x94: {  	_ =	swait.eq [sflag:s5], $0x1  }
0x95: {  	s16 =	sld [smem:$0x11];
	[sflag:s5] =	ssyncset.done $0x0  }
0x96: {  	s17 =	sld [smem:$0x12];
	[sflag:s5] =	ssyncadd.s32 $0xFFFFFFFF  }
0x97: {  	s18 =	sld [smem:$0x14];
	(tm) =	ssettm $0x1  }
0x98: {  	s7 =	sld [smem:$0x3FFB];
	_ =	sdelay $0x3  }
0x99: {  	_ =	strace s7  }
0x9a: {  	s7 =	sld [smem:$0x3FFC];
	_ =	sdelay $0x3  }
0x9b: {  	_ =	strace s7  }
0x9c: {  	s7 =	sld [smem:$0x3FFD];
	_ =	sdelay $0x3  }
0x9d: {  	_ =	strace s7  }
0x9e: {  	_ =	strace $0x8FFFFFFF  }
0x9f: {  	s19 =	sld [smem:$0x3FDB];
	_ =	sdelay $0x1  }
0xa0: {  	s8 =	simm.s32 $_scs_section_size  }
0xa1: {  	s9 =	simm.s32 $_size__tile_overlayer_lowered;
	s10 =	simm.s32 $_tile_overlayer_lowered  }
0xa2: {  	s22 =	simm.s32 $0x1BFF;
	s21 =	sshll.u32 s10, $0x1;
	s7 =	sadd.s32 s8, s19  }
0xa3: {  	s11 =	simm.s32 $0x0;
	s20 =	sshll.u32 s9, $0x1;
	s9 =	sadd.s32 s21, s7  }
0xa4: {  	[timem:s11], [sflag:s22] =	dma.local [hbm:s9], s20  }
0xa5: {  	_ =	swait.ge [sflag:s22], s20  }
0xa6: {  	s8 =	ssub.s32 $0x0, s20;
	[sflag:s22] =	ssyncset.done $0x0  }
0xa7: {  	[sflag:s22] =	ssyncadd.s32 s8;
	_ =	sdelay $0x1  }
0xa8: {  	s23 =	simm.s32 $0x1B8B  }
0xa9: {  	_ =	swait.ge [sflag:s23], $0x1  }
0xaa: {  	[sflag:s23] =	ssyncset.done $0x0  }
0xab: {  	s25 =	simm.s32 $0x1B8E;
	s24 =	sld [smem:$0x3FFE];
	[sflag:s23] =	ssyncadd.s32 $0xFFFFFFFF  }
0xac: {  	s26 =	simm.s32 $execute0_lowered;
	[smem:$0x3FD2] =	sst s25  }
0xad: {  	s9 =	sshll.u32 s26, $0x1;
	_ =	strace $0x80000046;
	[dreg:$0x1] =	wrdreg $0xFFFFFFFF  }
0xae: {  	s28 =	simm.s32 $_size_execute0_lowered;
	s7 =	sadd.s32 s7, s9;
	[dreg:$0x0] =	wrdreg $0x0  }
0xaf: {  	s9 =	sshll.u32 s28, $0x1;
	[dreg:$0x2] =	wrdreg s7  }
0xb0: {  	[dreg:$0x3] =	wrdreg s9  }
0xb1: {  	[dreg:$0x4] =	wrdreg $0xC0  }
0xb2: {  	_ =	task [dreg:s11], $0x5FFFF  }
0xb3: {  	[dreg:$0x1] =	wrdreg $0xFFFFFFFF  }
0xb4: {  	[dreg:$0x0] =	wrdreg $0x60  }
0xb5: {  	[dreg:$0x2] =	wrdreg s24  }
0xb6: {  	[dreg:$0x3] =	wrdreg s18  }
0xb7: {  	[dreg:$0x4] =	wrdreg s15  }
0xb8: {  	[dreg:$0x5] =	wrdreg s4  }
0xb9: {  	[dreg:$0x6] =	wrdreg s16  }
0xba: {  	[dreg:$0x7] =	wrdreg s17  }
0xbb: {  	[dreg:$0x8] =	wrdreg $0x9  }
0xbc: {  	_ =	task.clear_ibuf [dreg:s11], $0x9FFFF;
	_ =	strace $0x90000046  }
0xbd: {  	s29 =	simm.s32 $0x9;
	_ =	strace $0x80000048  }
0xbe: {  	_ =	swait.ge [sflag:s29], $0x1  }
0xbf: {  	[sflag:s29] =	ssyncadd.s32 $0xFFFFFFFF  }
0xc0: {  	_ =	strace $0x90000048  }
0xc1: {  	_ =	sfence  }
0xc2: {  	s30 =	sld [smem:$0x0];
	_ =	sdelay $0x2  }
0xc3: {  	s31 =	sshll.u32 s1, $0xD;
	s1 =	sshrl.u32 s1, $0x2  }
0xc4: {  	s3 =	sand.u32 $0x4000, s31;
	s1 =	sadd.s32 s1, s30  }
0xc5: {  	s0 =	sor.u32 s3, s0;
	s1 =	sshll.u32 s1, $0x11  }
0xc6: {  	s0 =	sor.u32 s1, s0  }
0xc7: {  	s0 =	sadd.s32 $0x8F2B, s0  }
0xc8: {  	[sflag:s0] =	ssyncadd.remote.s32 $0x1  }
0xc9: {  	_ =	sfence.sel $0xFFFF  }
0xca: {  	[dreg:$0x0] =	wrdreg $0xFFFFFFFF;
	(pc) =	sbr.abs _section_cstart, $3  }
0xcb: {  	[dreg:$0x1] =	wrdreg $0xFFFFFFFF  }
0xcc: {  	_ =	task.clear_ibuf [dreg:s11], $0x2FFFF;
	_ =	strace $0x9FFFFFFF  }
0xcd: {  	(tm) =	ssettm $0x7FFFFFFF  }
tec
execute0_lowered:
.L_overlay_start_1:
0x0: {  	(tag) =	ssettag $0x1  }
0x1: {  	s5 =	rddreg [dreg:$0x0]  }
0x2: {  	s6 =	rddreg [dreg:$0x1]  }
0x3: {  	s1 =	rddreg [dreg:$0x2]  }
0x4: {  	s2 =	rddreg [dreg:$0x3]  }
0x5: {  	s8 =	rddreg [dreg:$0x4]  }
0x6: {  	s9 =	rddreg [dreg:$0x5]  }
0x7: {  	s0 =	rddreg [dreg:$0x6];
	s7 =	srdreg.scid  }
0x8: {  	s4 =	simm.s32 $0x0;
	s3 =	stileid.u32;
	s13 =	simm.s32 $0x200  }
0x9: {  	s14 =	simm.s32 $0x280;
	s15 =	simm.s32 $0x380;
	s16 =	simm.s32 $0x1  }
0xa: {  	s17 =	simm.s32 $0x2;
	s18 =	simm.s32 $0x480;
	s7 =	sand.u32 $0x1, s7  }
0xb: {  	s19 =	simm.s32 $0x580;
	s10 =	sshll.u32 s3, $0x6;
	s11 =	sshll.u32 s7, $0x5  }
0xc: {  	[smem:$0x7FF] =	sst s4;
	s7 =	ssub.s32 $0x2, s7;
	s10 =	sor.u32 s11, s10  }
0xd: {  	_ =	strace $0x80000047;
	s12 =	sshrl.u32 s7, $0x1;
	s11 =	sadd.s32 s10, s5  }
0xe: {  	s5 =	sadd.s32 $0xE00, s5;
	s12 =	ssub.s32 s7, s12;
	s6 =	sadd.s32 s6, s10  }
0xf: {  	s8 =	sadd.s32 s8, s10;
	s9 =	sadd.s32 s9, s10;
	s7 =	sadd.s32 $0xA00, s11  }
0x10: {  	s10 =	smax.u32 s12, $0x1;
	s11 =	simm.s32 $0x3;
	s12 =	simm.s32 $0x100  }
.LBB2_1:
0x11: {  	[tilespmem:s4], [sflag:$0x3] =	stream.linear.gather [hbm4b:s6+s4], $0x100, $0x38;
	[tilespmem:$0x680] =	vst v63  }
0x12: {  	_ =	swait.ge [sflag:s11], $0x100  }
0x13: {  	[sflag:s11] =	ssyncset.done $0x0  }
0x14: {  	[sflag:s11] =	ssyncadd.s32 $0xFFFFFF00  }
0x15: {  	[tilespmem:s12], [sflag:$0x3] =	stream.linear.gather [hbm4b:s7+s4], $0x100, $0x38;
	[tilespmem:$0x680] =	vst v63  }
0x16: {  	_ =	swait.ge [sflag:s11], $0x100  }
0x17: {  	[sflag:s11] =	ssyncset.done $0x0  }
0x18: {  	[sflag:s11] =	ssyncadd.s32 $0xFFFFFF00  }
0x19: {  	[tilespmem:s13], [sflag:$0x3] =	stream.linear.gather [hbm4b:s5+s4], $0x80, $0x38;
	[tilespmem:$0x680] =	vst v63  }
0x1a: {  	_ =	swait.ge [sflag:s11], $0x80  }
0x1b: {  	[sflag:s11] =	ssyncset.done $0x0  }
0x1c: {  	[sflag:s11] =	ssyncadd.s32 $0xFFFFFF80  }
0x1d: {  	[tilespmem:s14], [sflag:$0x1] =	stream.indirect.gather [hbm4b:s1+s12], $0x1, s4, s12, $0xb8;
	[tilespmem:$0x680] =	vst v63  }
0x1e: {  	_ = 	snop  }
0x1f: {  	[tilespmem:s15], [sflag:$0x2] =	stream.indirect.gather [hbm4b:s2+s12], $0x1, s4, s12, $0xb8;
	[tilespmem:$0x680] =	vst v63  }
0x20: {  	_ =	swait.ge [sflag:s16], $0x100  }
0x21: {  	[sflag:s16] =	ssyncset.done $0x0  }
0x22: {  	[sflag:s16] =	ssyncadd.s32 $0xFFFFFF00  }
0x23: {  	_ =	swait.ge [sflag:s17], $0x100  }
0x24: {  	[sflag:s17] =	ssyncset.done $0x0  }
0x25: {  	[sflag:s17] =	ssyncadd.s32 $0xFFFFFF00  }
0x26: {  	v0 =	vld [tilespmem:$0x100];
	_ =	sdelay $0x4  }
0x27: {  	v1 =	vsub.f32 $0.0e+00, v0;
	_ =	sdelay $0x1  }
0x28: {  	v1 =	vmul.f32 $1.442695020e+00, v1;
	_ =	sdelay $0x1  }
0x29: {  	(erf) = vpow2.f32 v1;
	_ =	sdelay $0x5  }
0x2a: {  	v0 =	vadd.f32 $-3.000000120e-01, v0;
	_ =	sdelay $0x1  }
0x2b: {  	v57 =	vld [tilespmem:$0x200];
	v0 =	vsub.f32 $0.0e+00, v0  }
0x2c: {  	v2 =	vpop (erf)  }
0x2d: {  	v0 =	vmul.f32 $3.000000000e+00, v0;
	v2 =	vadd.f32 $1.000000000e+00, v2;
	_ =	sdelay $0x1  }
0x2e: {  	v0 =	vmul.f32 $1.442695020e+00, v0;
	(erf) = vrcp.f32 v2  }
0x2f: {  	(erf) = vrcp.f32 v57  }
0x30: {  	(erf) = vpow2.f32 v0;
	_ =	sdelay $0x3  }
0x31: {  	v58 =	vld [tilespmem:$0x110];
	_ =	sdelay $0x2  }
0x32: {  	v2 =	vpop (erf)  }
0x33: {  	v0 =	vpop (erf)  }
0x34: {  	v4 =	vsub.f32 $0.0e+00, v58;
	v3 =	vpop (erf)  }
0x35: {  	v3 =	vadd.f32 $1.000000000e+00, v3  }
0x36: {  	v4 =	vmul.f32 $1.442695020e+00, v4  }
0x37: {  	(erf) = vrcp.f32 v3  }
0x38: {  	(erf) = vpow2.f32 v4;
	_ =	sdelay $0x3  }
0x39: {  	v1 =	vadd.f32 $-3.000000120e-01, v58;
	_ =	sdelay $0x2  }
0x3a: {  	v59 =	vsub.f32 $0.0e+00, v1  }
0x3b: {  	v1 =	vpop (erf)  }
0x3c: {  	v3 =	vmul.f32 $3.000000000e+00, v59;
	v4 =	vpop (erf)  }
0x3d: {  	v4 =	vadd.f32 $1.000000000e+00, v4  }
0x3e: {  	v3 =	vmul.f32 $1.442695020e+00, v3  }
0x3f: {  	(erf) = vrcp.f32 v4  }
0x40: {  	(erf) = vpow2.f32 v3;
	_ =	sdelay $0x3  }
0x41: {  	v60 =	vld [tilespmem:$0x120];
	_ =	sdelay $0x3  }
0x42: {  	v5 =	vpop (erf)  }
0x43: {  	v6 =	vsub.f32 $0.0e+00, v60;
	v61 =	vpop (erf)  }
0x44: {  	v4 =	vadd.f32 $1.000000000e+00, v61  }
0x45: {  	v6 =	vmul.f32 $1.442695020e+00, v6  }
0x46: {  	(erf) = vrcp.f32 v4  }
0x47: {  	(erf) = vpow2.f32 v6;
	_ =	sdelay $0x4  }
0x48: {  	v3 =	vadd.f32 $-3.000000120e-01, v60;
	_ =	sdelay $0x1  }
0x49: {  	v62 =	vsub.f32 $0.0e+00, v3  }
0x4a: {  	v63 =	vpop (erf)  }
0x4b: {  	v4 =	vmul.f32 $3.000000000e+00, v62;
	v6 =	vpop (erf)  }
0x4c: {  	v6 =	vadd.f32 $1.000000000e+00, v6  }
0x4d: {  	v4 =	vmul.f32 $1.442695020e+00, v4  }
0x4e: {  	(erf) = vrcp.f32 v6  }
0x4f: {  	(erf) = vpow2.f32 v4;
	_ =	sdelay $0x3  }
0x50: {  	v13 =	vld [tilespmem:$0x130];
	_ =	sdelay $0x3  }
0x51: {  	v10 =	vpop (erf)  }
0x52: {  	v7 =	vsub.f32 $0.0e+00, v13;
	v14 =	vpop (erf)  }
0x53: {  	v6 =	vadd.f32 $1.000000000e+00, v14  }
0x54: {  	v7 =	vmul.f32 $1.442695020e+00, v7  }
0x55: {  	(erf) = vrcp.f32 v6  }
0x56: {  	(erf) = vpow2.f32 v7;
	_ =	sdelay $0x3  }
0x57: {  	v4 =	vadd.f32 $-3.000000120e-01, v13;
	_ =	sdelay $0x2  }
0x58: {  	v15 =	vsub.f32 $0.0e+00, v4  }
0x59: {  	v4 =	vpop (erf)  }
0x5a: {  	v6 =	vmul.f32 $3.000000000e+00, v15;
	v7 =	vpop (erf)  }
0x5b: {  	v7 =	vadd.f32 $1.000000000e+00, v7  }
0x5c: {  	v6 =	vmul.f32 $1.442695020e+00, v6  }
0x5d: {  	(erf) = vrcp.f32 v7  }
0x5e: {  	(erf) = vpow2.f32 v6;
	_ =	sdelay $0x3  }
0x5f: {  	v16 =	vld [tilespmem:$0x140];
	_ =	sdelay $0x3  }
0x60: {  	v13 =	vpop (erf)  }
0x61: {  	v8 =	vsub.f32 $0.0e+00, v16;
	v17 =	vpop (erf)  }
0x62: {  	v7 =	vadd.f32 $1.000000000e+00, v17  }
0x63: {  	v8 =	vmul.f32 $1.442695020e+00, v8  }
0x64: {  	(erf) = vrcp.f32 v7  }
0x65: {  	(erf) = vpow2.f32 v8;
	_ =	sdelay $0x4  }
0x66: {  	v6 =	vadd.f32 $-3.000000120e-01, v16;
	_ =	sdelay $0x1  }
0x67: {  	v6 =	vsub.f32 $0.0e+00, v6  }
0x68: {  	v8 =	vpop (erf)  }
0x69: {  	v6 =	vmul.f32 $3.000000000e+00, v6;
	v18 =	vpop (erf)  }
0x6a: {  	v7 =	vadd.f32 $1.000000000e+00, v18  }
0x6b: {  	v6 =	vmul.f32 $1.442695020e+00, v6  }
0x6c: {  	(erf) = vrcp.f32 v7  }
0x6d: {  	(erf) = vpow2.f32 v6;
	_ =	sdelay $0x3  }
0x6e: {  	v19 =	vld [tilespmem:$0x150];
	_ =	sdelay $0x3  }
0x6f: {  	v14 =	vpop (erf)  }
0x70: {  	v9 =	vsub.f32 $0.0e+00, v19;
	v20 =	vpop (erf)  }
0x71: {  	v7 =	vadd.f32 $1.000000000e+00, v20  }
0x72: {  	v9 =	vmul.f32 $1.442695020e+00, v9  }
0x73: {  	(erf) = vrcp.f32 v7  }
0x74: {  	(erf) = vpow2.f32 v9;
	_ =	sdelay $0x3  }
0x75: {  	v6 =	vadd.f32 $-3.000000120e-01, v19;
	_ =	sdelay $0x2  }
0x76: {  	v21 =	vsub.f32 $0.0e+00, v6  }
0x77: {  	v6 =	vpop (erf)  }
0x78: {  	v7 =	vmul.f32 $3.000000000e+00, v21;
	v9 =	vpop (erf)  }
0x79: {  	v9 =	vadd.f32 $1.000000000e+00, v9  }
0x7a: {  	v7 =	vmul.f32 $1.442695020e+00, v7  }
0x7b: {  	(erf) = vrcp.f32 v9  }
0x7c: {  	(erf) = vpow2.f32 v7;
	_ =	sdelay $0x3  }
0x7d: {  	v22 =	vld [tilespmem:$0x160];
	_ =	sdelay $0x3  }
0x7e: {  	v17 =	vpop (erf)  }
0x7f: {  	v11 =	vsub.f32 $0.0e+00, v22;
	v23 =	vpop (erf)  }
0x80: {  	v9 =	vadd.f32 $1.000000000e+00, v23  }
0x81: {  	v11 =	vmul.f32 $1.442695020e+00, v11  }
0x82: {  	(erf) = vrcp.f32 v9  }
0x83: {  	(erf) = vpow2.f32 v11;
	_ =	sdelay $0x3  }
0x84: {  	v7 =	vadd.f32 $-3.000000120e-01, v22;
	_ =	sdelay $0x2  }
0x85: {  	v24 =	vsub.f32 $0.0e+00, v7  }
0x86: {  	v7 =	vpop (erf)  }
0x87: {  	v9 =	vmul.f32 $3.000000000e+00, v24;
	v11 =	vpop (erf)  }
0x88: {  	v11 =	vadd.f32 $1.000000000e+00, v11  }
0x89: {  	v9 =	vmul.f32 $1.442695020e+00, v9  }
0x8a: {  	(erf) = vrcp.f32 v11  }
0x8b: {  	(erf) = vpow2.f32 v9;
	_ =	sdelay $0x3  }
0x8c: {  	v25 =	vld [tilespmem:$0x170];
	_ =	sdelay $0x3  }
0x8d: {  	v18 =	vpop (erf)  }
0x8e: {  	v12 =	vsub.f32 $0.0e+00, v25;
	v26 =	vpop (erf)  }
0x8f: {  	v11 =	vadd.f32 $1.000000000e+00, v26  }
0x90: {  	v12 =	vmul.f32 $1.442695020e+00, v12  }
0x91: {  	(erf) = vrcp.f32 v11  }
0x92: {  	(erf) = vpow2.f32 v12;
	_ =	sdelay $0x3  }
0x93: {  	v9 =	vadd.f32 $-3.000000120e-01, v25;
	_ =	sdelay $0x2  }
0x94: {  	v27 =	vsub.f32 $0.0e+00, v9  }
0x95: {  	v9 =	vpop (erf)  }
0x96: {  	v11 =	vmul.f32 $3.000000000e+00, v27;
	v12 =	vpop (erf)  }
0x97: {  	v12 =	vadd.f32 $1.000000000e+00, v12  }
0x98: {  	v11 =	vmul.f32 $1.442695020e+00, v11  }
0x99: {  	(erf) = vrcp.f32 v12  }
0x9a: {  	(erf) = vpow2.f32 v11;
	_ =	sdelay $0x3  }
0x9b: {  	v28 =	vld [tilespmem:$0x180];
	_ =	sdelay $0x3  }
0x9c: {  	v21 =	vpop (erf)  }
0x9d: {  	v15 =	vsub.f32 $0.0e+00, v28;
	v29 =	vpop (erf)  }
0x9e: {  	v12 =	vadd.f32 $1.000000000e+00, v29  }
0x9f: {  	v15 =	vmul.f32 $1.442695020e+00, v15  }
0xa0: {  	(erf) = vrcp.f32 v12  }
0xa1: {  	(erf) = vpow2.f32 v15;
	_ =	sdelay $0x3  }
0xa2: {  	v11 =	vadd.f32 $-3.000000120e-01, v28;
	_ =	sdelay $0x2  }
0xa3: {  	v30 =	vsub.f32 $0.0e+00, v11  }
0xa4: {  	v11 =	vpop (erf)  }
0xa5: {  	v12 =	vmul.f32 $3.000000000e+00, v30;
	v15 =	vpop (erf)  }
0xa6: {  	v15 =	vadd.f32 $1.000000000e+00, v15  }
0xa7: {  	v12 =	vmul.f32 $1.442695020e+00, v12  }
0xa8: {  	(erf) = vrcp.f32 v15  }
0xa9: {  	(erf) = vpow2.f32 v12;
	_ =	sdelay $0x3  }
0xaa: {  	v31 =	vld [tilespmem:$0x190];
	_ =	sdelay $0x3  }
0xab: {  	v19 =	vpop (erf)  }
0xac: {  	v16 =	vsub.f32 $0.0e+00, v31;
	v32 =	vpop (erf)  }
0xad: {  	v15 =	vadd.f32 $1.000000000e+00, v32  }
0xae: {  	v16 =	vmul.f32 $1.442695020e+00, v16  }
0xaf: {  	(erf) = vrcp.f32 v15  }
0xb0: {  	(erf) = vpow2.f32 v16;
	_ =	sdelay $0x3  }
0xb1: {  	v12 =	vadd.f32 $-3.000000120e-01, v31;
	_ =	sdelay $0x2  }
0xb2: {  	v33 =	vsub.f32 $0.0e+00, v12  }
0xb3: {  	v12 =	vpop (erf)  }
0xb4: {  	v15 =	vmul.f32 $3.000000000e+00, v33;
	v16 =	vpop (erf)  }
0xb5: {  	v16 =	vadd.f32 $1.000000000e+00, v16  }
0xb6: {  	v15 =	vmul.f32 $1.442695020e+00, v15  }
0xb7: {  	(erf) = vrcp.f32 v16  }
0xb8: {  	(erf) = vpow2.f32 v15;
	_ =	sdelay $0x3  }
0xb9: {  	v34 =	vld [tilespmem:$0x1A0];
	_ =	sdelay $0x3  }
0xba: {  	v22 =	vpop (erf)  }
0xbb: {  	v20 =	vsub.f32 $0.0e+00, v34;
	v35 =	vpop (erf)  }
0xbc: {  	v16 =	vadd.f32 $1.000000000e+00, v35  }
0xbd: {  	v20 =	vmul.f32 $1.442695020e+00, v20  }
0xbe: {  	(erf) = vrcp.f32 v16  }
0xbf: {  	(erf) = vpow2.f32 v20;
	_ =	sdelay $0x3  }
0xc0: {  	v15 =	vadd.f32 $-3.000000120e-01, v34;
	_ =	sdelay $0x2  }
0xc1: {  	v36 =	vsub.f32 $0.0e+00, v15  }
0xc2: {  	v15 =	vpop (erf)  }
0xc3: {  	v16 =	vmul.f32 $3.000000000e+00, v36;
	v20 =	vpop (erf)  }
0xc4: {  	v20 =	vadd.f32 $1.000000000e+00, v20  }
0xc5: {  	v16 =	vmul.f32 $1.442695020e+00, v16  }
0xc6: {  	(erf) = vrcp.f32 v20  }
0xc7: {  	(erf) = vpow2.f32 v16;
	_ =	sdelay $0x3  }
0xc8: {  	v37 =	vld [tilespmem:$0x1B0];
	_ =	sdelay $0x3  }
0xc9: {  	v23 =	vpop (erf)  }
0xca: {  	v24 =	vsub.f32 $0.0e+00, v37;
	v38 =	vpop (erf)  }
0xcb: {  	v20 =	vadd.f32 $1.000000000e+00, v38  }
0xcc: {  	v24 =	vmul.f32 $1.442695020e+00, v24  }
0xcd: {  	(erf) = vrcp.f32 v20  }
0xce: {  	(erf) = vpow2.f32 v24;
	_ =	sdelay $0x3  }
0xcf: {  	v16 =	vadd.f32 $-3.000000120e-01, v37;
	_ =	sdelay $0x2  }
0xd0: {  	v39 =	vsub.f32 $0.0e+00, v16  }
0xd1: {  	v16 =	vpop (erf)  }
0xd2: {  	v20 =	vmul.f32 $3.000000000e+00, v39;
	v24 =	vpop (erf)  }
0xd3: {  	v24 =	vadd.f32 $1.000000000e+00, v24  }
0xd4: {  	v20 =	vmul.f32 $1.442695020e+00, v20  }
0xd5: {  	(erf) = vrcp.f32 v24  }
0xd6: {  	(erf) = vpow2.f32 v20;
	_ =	sdelay $0x3  }
0xd7: {  	v40 =	vld [tilespmem:$0x1C0];
	_ =	sdelay $0x3  }
0xd8: {  	v25 =	vpop (erf)  }
0xd9: {  	v26 =	vsub.f32 $0.0e+00, v40;
	v41 =	vpop (erf)  }
0xda: {  	v24 =	vadd.f32 $1.000000000e+00, v41  }
0xdb: {  	v26 =	vmul.f32 $1.442695020e+00, v26  }
0xdc: {  	(erf) = vrcp.f32 v24  }
0xdd: {  	(erf) = vpow2.f32 v26;
	_ =	sdelay $0x3  }
0xde: {  	v20 =	vadd.f32 $-3.000000120e-01, v40;
	_ =	sdelay $0x2  }
0xdf: {  	v42 =	vsub.f32 $0.0e+00, v20  }
0xe0: {  	v20 =	vpop (erf)  }
0xe1: {  	v24 =	vmul.f32 $3.000000000e+00, v42;
	v26 =	vpop (erf)  }
0xe2: {  	v26 =	vadd.f32 $1.000000000e+00, v26  }
0xe3: {  	v24 =	vmul.f32 $1.442695020e+00, v24  }
0xe4: {  	(erf) = vrcp.f32 v26  }
0xe5: {  	(erf) = vpow2.f32 v24;
	_ =	sdelay $0x3  }
0xe6: {  	v43 =	vld [tilespmem:$0x1D0];
	_ =	sdelay $0x3  }
0xe7: {  	v28 =	vpop (erf)  }
0xe8: {  	v27 =	vsub.f32 $0.0e+00, v43;
	v44 =	vpop (erf)  }
0xe9: {  	v26 =	vadd.f32 $1.000000000e+00, v44  }
0xea: {  	v27 =	vmul.f32 $1.442695020e+00, v27  }
0xeb: {  	(erf) = vrcp.f32 v26  }
0xec: {  	(erf) = vpow2.f32 v27;
	_ =	sdelay $0x3  }
0xed: {  	v24 =	vadd.f32 $-3.000000120e-01, v43;
	_ =	sdelay $0x2  }
0xee: {  	v45 =	vsub.f32 $0.0e+00, v24  }
0xef: {  	v24 =	vpop (erf)  }
0xf0: {  	v26 =	vmul.f32 $3.000000000e+00, v45;
	v27 =	vpop (erf)  }
0xf1: {  	v27 =	vadd.f32 $1.000000000e+00, v27  }
0xf2: {  	v26 =	vmul.f32 $1.442695020e+00, v26  }
0xf3: {  	(erf) = vrcp.f32 v27  }
0xf4: {  	(erf) = vpow2.f32 v26;
	_ =	sdelay $0x3  }
0xf5: {  	v46 =	vld [tilespmem:$0x1E0];
	_ =	sdelay $0x3  }
0xf6: {  	v27 =	vpop (erf)  }
0xf7: {  	v30 =	vsub.f32 $0.0e+00, v46;
	v29 =	vpop (erf)  }
0xf8: {  	v29 =	vadd.f32 $1.000000000e+00, v29  }
0xf9: {  	v30 =	vmul.f32 $1.442695020e+00, v30  }
0xfa: {  	(erf) = vrcp.f32 v29  }
0xfb: {  	(erf) = vpow2.f32 v30;
	_ =	sdelay $0x3  }
0xfc: {  	v26 =	vadd.f32 $-3.000000120e-01, v46;
	_ =	sdelay $0x2  }
0xfd: {  	v47 =	vsub.f32 $0.0e+00, v26  }
0xfe: {  	v26 =	vpop (erf)  }
0xff: {  	v33 =	vld [tilespmem:$0x290];
	v29 =	vmul.f32 $3.000000000e+00, v47;
	v31 =	vpop (erf)  }
0x100: {  	v31 =	vadd.f32 $1.000000000e+00, v31  }
0x101: {  	v34 =	vld [tilespmem:$0x390];
	v29 =	vmul.f32 $1.442695020e+00, v29  }
0x102: {  	(erf) = vrcp.f32 v31  }
0x103: {  	v35 =	vld [tilespmem:$0x2B0];
	(erf) = vpow2.f32 v29  }
0x104: {  	v33 =	vmul.f32 v33, v0  }
0x105: {  	v36 =	vld [tilespmem:$0x3B0]  }
0x106: {  	v53 =	vld [tilespmem:$0x2D0];
	v33 =	vmul.f32 v34, v33  }
0x107: {  	v37 =	vld [tilespmem:$0x1F0]  }
0x108: {  	v52 =	vld [tilespmem:$0x2C0];
	v5 =	vmul.f32 v5, v33;
	v51 =	vmul.f32 v35, v0  }
0x109: {  	v60 =	vld [tilespmem:$0x2E0]  }
0x10a: {  	v62 =	vld [tilespmem:$0x2F0];
	v5 =	vmax.f32 v5, $1.000000010e-01;
	v54 =	vmul.f32 v36, v51  }
0x10b: {  	v48 =	vld [tilespmem:$0x280];
	v34 =	vmul.f32 v53, v0;
	v5 =	vmin.f32 v5, $1.000000000e+00;
	v29 =	vpop (erf)  }
0x10c: {  	v61 =	vld [tilespmem:$0x3E0];
	v3 =	vmul.f32 v5, v63;
	v13 =	vmul.f32 v13, v54;
	v38 =	vsub.f32 $0.0e+00, v37;
	v56 =	vpop (erf)  }
0x10d: {  	v32 =	vld [tilespmem:$0x380];
	v35 =	vmul.f32 v52, v0;
	v39 =	vadd.f32 $-3.000000120e-01, v37;
	v58 =	vadd.f32 $1.000000000e+00, v56  }
0x10e: {  	v63 =	vld [tilespmem:$0x3F0];
	v36 =	vmul.f32 v60, v0;
	v13 =	vmax.f32 v13, $1.000000010e-01;
	v59 =	vmul.f32 $1.442695020e+00, v38  }
0x10f: {  	v49 =	vld [tilespmem:$0x2A0];
	v42 =	vmul.f32 v62, v0;
	v46 =	vsub.f32 $0.0e+00, v39;
	(erf) = vrcp.f32 v58  }
0x110: {  	v55 =	vld [tilespmem:$0x3C0];
	v40 =	vmin.f32 v13, $1.000000000e+00;
	v30 =	vmul.f32 v48, v0;
	(erf) = vpow2.f32 v59  }
0x111: {  	v54 =	vld [tilespmem:$0x320];
	v45 =	vmul.f32 v40, v8;
	v8 =	vmul.f32 $3.000000000e+00, v46  }
0x112: {  	v50 =	vld [tilespmem:$0x3A0];
	v41 =	vmul.f32 v61, v36;
	v30 =	vmul.f32 v32, v30  }
0x113: {  	v57 =	vld [tilespmem:$0x3D0];
	v8 =	vmul.f32 $1.442695020e+00, v8;
	v48 =	vmul.f32 v63, v42  }
0x114: {  	v38 =	vld [tilespmem:$0x300];
	v47 =	vmul.f32 v18, v41;
	v2 =	vmul.f32 v2, v30  }
0x115: {  	v43 =	vld [tilespmem:$0x400];
	v32 =	vmul.f32 v55, v35;
	v13 =	vmul.f32 v21, v48  }
0x116: {  	[tilespmem:$0x490] =	vst v5;
	v35 =	vmul.f32 v54, v0;
	v2 =	vmax.f32 v2, $1.000000010e-01;
	v31 =	vmul.f32 v49, v0;
	v49 =	vld [tilespmem:$0x310]  }
0x117: {  	[tilespmem:$0x590] =	vst v3;
	v14 =	vmul.f32 v14, v32;
	v36 =	vmax.f32 v13, $1.000000010e-01;
	v2 =	vmin.f32 v2, $1.000000000e+00  }
0x118: {  	v1 =	vmul.f32 v2, v1;
	[tilespmem:$0x480] =	vst v2;
	v2 =	vmin.f32 v36, $1.000000000e+00;
	v31 =	vmul.f32 v50, v31;
	v30 =	vpop (erf)  }
0x119: {  	[tilespmem:$0x4B0] =	vst v40;
	v18 =	vmax.f32 v47, $1.000000010e-01;
	v40 =	vmul.f32 v2, v11;
	v50 =	vmul.f32 v38, v0;
	v52 =	vpop (erf)  }
0x11a: {  	v51 =	vld [tilespmem:$0x410];
	[tilespmem:$0x5B0] =	vst v45;
	v10 =	vmul.f32 v10, v31;
	v31 =	vmul.f32 v57, v34;
	v55 =	vadd.f32 $1.000000000e+00, v52  }
0x11b: {  	v53 =	vmax.f32 v14, $1.000000010e-01;
	[tilespmem:$0x4F0] =	vst v2;
	v3 =	vmul.f32 v43, v50;
	v57 =	vld [tilespmem:$0x420];
	v61 =	vmul.f32 v49, v0  }
0x11c: {  	[tilespmem:$0x580] =	vst v1;
	v10 =	vmax.f32 v10, $1.000000010e-01;
	v17 =	vmul.f32 v17, v31;
	(erf) = vrcp.f32 v55  }
0x11d: {  	[tilespmem:$0x5F0] =	vst v40;
	v3 =	vmul.f32 v19, v3;
	v10 =	vmin.f32 v10, $1.000000000e+00;
	v59 =	vld [tilespmem:$0x330];
	(erf) = vpow2.f32 v8  }
0x11e: {  	v41 =	vld [tilespmem:$0x360];
	v44 =	vmul.f32 v10, v4;
	[tilespmem:$0x4A0] =	vst v10;
	v60 =	vmax.f32 v17, $1.000000010e-01;
	v4 =	vmin.f32 v18, $1.000000000e+00  }
0x11f: {  	v21 =	vld [tilespmem:$0x430];
	v32 =	vmul.f32 v51, v61;
	v3 =	vmax.f32 v3, $1.000000010e-01;
	v63 =	vmin.f32 v60, $1.000000000e+00;
	[tilespmem:$0x4E0] =	vst v4  }
0x120: {  	v37 =	vld [tilespmem:$0x350];
	v34 =	vmul.f32 v4, v9;
	v38 =	vmul.f32 v57, v35;
	v3 =	vmin.f32 v3, $1.000000000e+00;
	[tilespmem:$0x5A0] =	vst v44  }
0x121: {  	v46 =	vld [tilespmem:$0x460];
	v31 =	vmul.f32 v63, v7;
	[tilespmem:$0x4D0] =	vst v63;
	v7 =	vmul.f32 v22, v32;
	v56 =	vmin.f32 v53, $1.000000000e+00  }
0x122: {  	[tilespmem:$0x500] =	vst v3;
	v58 =	vmul.f32 v56, v6;
	v6 =	vmul.f32 v59, v0  }
0x123: {  	v39 =	vld [tilespmem:$0x450];
	v45 =	vmul.f32 v3, v12;
	[tilespmem:$0x5E0] =	vst v34;
	v42 =	vmul.f32 v23, v38  }
0x124: {  	v62 =	vld [tilespmem:$0x340];
	[tilespmem:$0x4C0] =	vst v56;
	v7 =	vmax.f32 v7, $1.000000010e-01;
	v5 =	vmul.f32 v21, v6;
	v6 =	vmul.f32 v41, v0  }
0x125: {  	v48 =	vmul.f32 v37, v0;
	v49 =	vld [tilespmem:$0x370];
	[tilespmem:$0x5D0] =	vst v31;
	v47 =	vmin.f32 v7, $1.000000000e+00;
	v2 =	vmax.f32 v42, $1.000000010e-01;
	v44 =	vpop (erf)  }
0x126: {  	v33 =	vld [tilespmem:$0x440];
	[tilespmem:$0x600] =	vst v45;
	v51 =	vmul.f32 v47, v15;
	v2 =	vmin.f32 v2, $1.000000000e+00;
	v56 =	vmul.f32 v46, v6;
	v50 =	vpop (erf)  }
0x127: {  	[tilespmem:$0x510] =	vst v47;
	v54 =	vmul.f32 v2, v16;
	v5 =	vmul.f32 v25, v5;
	v12 =	vadd.f32 $1.000000000e+00, v50  }
0x128: {  	v53 =	vld [tilespmem:$0x470];
	[tilespmem:$0x5C0] =	vst v58;
	v52 =	vmul.f32 v39, v48;
	v3 =	vmul.f32 v29, v56  }
0x129: {  	[tilespmem:$0x520] =	vst v2;
	v5 =	vmax.f32 v5, $1.000000010e-01;
	v8 =	vmul.f32 v62, v0;
	(erf) = vrcp.f32 v12  }
0x12a: {  	[tilespmem:$0x610] =	vst v51;
	v55 =	vmul.f32 v27, v52;
	v5 =	vmin.f32 v5, $1.000000000e+00;
	v0 =	vmul.f32 v49, v0  }
0x12b: {  	[tilespmem:$0x620] =	vst v54;
	v57 =	vmul.f32 v5, v20;
	v43 =	vmul.f32 v33, v8  }
0x12c: {  	[tilespmem:$0x530] =	vst v5;
	v3 =	vmax.f32 v3, $1.000000010e-01;
	v2 =	vmax.f32 v55, $1.000000010e-01  }
0x12d: {  	v60 =	vmin.f32 v3, $1.000000000e+00;
	[tilespmem:$0x630] =	vst v57;
	v0 =	vmul.f32 v53, v0;
	v4 =	vmul.f32 v28, v43  }
0x12e: {  	v2 =	vmin.f32 v2, $1.000000000e+00;
	v61 =	vmul.f32 v60, v30;
	[tilespmem:$0x560] =	vst v60  }
0x12f: {  	v59 =	vmul.f32 v2, v26;
	[tilespmem:$0x550] =	vst v2;
	v4 =	vmax.f32 v4, $1.000000010e-01;
	v0 =	vmul.f32 v44, v0  }
0x130: {  	[tilespmem:$0x660] =	vst v61;
	v4 =	vmin.f32 v4, $1.000000000e+00  }
0x131: {  	[tilespmem:$0x650] =	vst v59;
	v58 =	vmul.f32 v4, v24;
	v0 =	vmax.f32 v0, $1.000000010e-01  }
0x132: {  	[tilespmem:$0x540] =	vst v4;
	v0 =	vmin.f32 v0, $1.000000000e+00;
	v62 =	vpop (erf)  }
0x133: {  	[tilespmem:$0x640] =	vst v58;
	v63 =	vmul.f32 v0, v62  }
0x134: {  	[tilespmem:$0x570] =	vst v0  }
0x135: {  	[tilespmem:$0x670] =	vst v63  }
0x136: {  	[hbm4b:s8+s4] =	stream.linear.scatter [tilespmem:s18], [sflag:$0x3], $0x100, $0x38;
	[tilespmem:$0x680] =	vst v63  }
0x137: {  	_ =	swait.ge [sflag:s11], $0x100  }
0x138: {  	p0 =	sne.s32 s10, $0x1;
	[sflag:s11] =	ssyncset.done $0x0  }
.Ltmp0:
0x139: {  	[sflag:s11] =	ssyncadd.s32 $0xFFFFFF00;
	(pc) =	sbr.rel @p0 .LBB2_1-.Ltmp0, $4  }
0x13a: {  	[hbm4b:s9+s4] =	stream.linear.scatter [tilespmem:s19], [sflag:$0x3], $0x100, $0x38;
	[tilespmem:$0x680] =	vst v63  }
0x13b: {  	_ =	swait.ge [sflag:s11], $0x100  }
0x13c: {  	[sflag:s11] =	ssyncset.done $0x0  }
0x13d: {  	s10 =	sadd.s32 $0xFFFFFFFF, s10;
	[sflag:s11] =	ssyncadd.s32 $0xFFFFFF00  }
0x13e: {  	_ =	sfence.sel $0x180000  }
0x13f: {  	[bflag:$0x0] =	sbarrier.arrive $0xFFFF  }
0x140: {  	p0 =	sne.s32 s3, $0x0;
	_ =	strace $0x90000047  }
0x141: {  	s0 =	sadd.s32 @!p0 $0x100000, s0;
	[bflag:$0x2] =	sbarrier.arrive $0xFFFF  }
0x142: {  	[sflag:s0] =	ssyncadd.tile.s32 @!p0 $0x1;
	_ =	shalt  }
.Lfunc_end2:
_tile_overlayer_lowered:
.L_overlay_start_2:
0x143: {  	(tag) =	ssettag $0x2  }
0x144: {  	s0 =	rddreg [dreg:$0x0];
	s2 =	stileid.u32  }
0x145: {  	s1 =	rddreg [dreg:$0x1];
	p0 =	sne.s32 s2, $0x0  }
0x146: {  	s3 =	rddreg [dreg:$0x2];
	[bflag:$0x3] =	sbarrier.arrive $0xFFFF;
	s2 =	simm.s32 @!p0 $0x1C03  }
0x147: {  	[timem:s3], [sflag:s2] =	dma.local @!p0 [hbm:s0], s1  }
0x148: {  	s0 =	simm.s32 @!p0 $0x3  }
0x149: {  	_ =	swait.ge @!p0 [sflag:s0], s1  }
0x14a: {  	s1 =	ssub.s32 @!p0 $0x0, s1;
	[sflag:s0] =	ssyncset.done @!p0 $0x0  }
0x14b: {  	[sflag:s0] =	ssyncadd.s32 @!p0 s1  }
0x14c: {  	[bflag:$0x3] =	sbarrier.arrive $0xFFFF  }
0x14d: {  	_ =	shalt  }

</sc_bundles>
